<compile_context>
chip_gen: v7x
topology: tpu7x:2x2x1
jax: 0.10.2.dev20260603
libtpu: 0.0.44.dev20260713+nightly
codegen_flags: <defaults>
</compile_context>

<pallas_src>
import functools

import jax
import jax.numpy as jnp
from jax import lax
from jax.experimental import pallas as pl
from jax.experimental.pallas import tpu as pltpu
from jax.experimental.pallas import tpu_sc as plsc

_C = 8
_NBUF = 6


def _make_emb_kernel(B, V, D, NC, NS):
    NW = NC * NS
    BPW = B // NW
    NCHUNK = BPW // _C
    mesh = plsc.VectorSubcoreMesh(core_axis_name="c", subcore_axis_name="s")

    @functools.partial(
        pl.kernel,
        mesh=mesh,
        out_type=jax.ShapeDtypeStruct((B, D), jnp.float32),
        scratch_types=(
            [pltpu.VMEM((BPW,), jnp.int32)]
            + [pltpu.VMEM((_C, D), jnp.float32)] * _NBUF
            + [pltpu.SemaphoreType.DMA] * (2 * _NBUF)
        ),
    )
    def emb(idx_hbm, table_hbm, out_hbm, idx_v, *rest):
        bufs = rest[:_NBUF]
        gsems = rest[_NBUF:2 * _NBUF]
        wsems = rest[2 * _NBUF:]
        wid = lax.axis_index("s") * NC + lax.axis_index("c")
        base = wid * BPW
        pltpu.sync_copy(idx_hbm.at[pl.ds(base, BPW)], idx_v)

        def gather(chunk, p):
            pltpu.async_copy(
                table_hbm.at[idx_v.at[pl.ds(chunk * _C, _C)]], bufs[p],
                gsems[p])

        for p in range(_NBUF - 1):
            gather(p, p)

        def body(g, carry):
            for p in range(_NBUF):
                q = (p + _NBUF - 1) % _NBUF

                @pl.when(lax.rem(g, _NBUF) == p)
                def _(p=p, q=q):
                    @pl.when(jnp.logical_and(g + _NBUF - 1 < NCHUNK, g >= 1))
                    def _():
                        pltpu.make_async_copy(
                            bufs[q],
                            out_hbm.at[pl.ds(base + (g - 1) * _C, _C)],
                            wsems[q]).wait()

                    @pl.when(g + _NBUF - 1 < NCHUNK)
                    def _():
                        gather(g + _NBUF - 1, q)

                    pltpu.make_async_copy(
                        table_hbm.at[idx_v.at[pl.ds(g * _C, _C)]],
                        bufs[p], gsems[p]).wait()
                    pltpu.async_copy(
                        bufs[p], out_hbm.at[pl.ds(base + g * _C, _C)],
                        wsems[p])
            return carry

        lax.fori_loop(0, NCHUNK, body, 0)

        for p in range(_NBUF):
            pltpu.make_async_copy(
                bufs[p], out_hbm.at[pl.ds(base, _C)], wsems[p]).wait()

    return emb


def kernel(x, wte):
    B = x.size
    V, D = wte.shape
    info = plsc.get_sparse_core_info()
    emb = _make_emb_kernel(B, V, D, info.num_cores, info.num_subcores)
    out = emb(x.reshape(B).astype(jnp.int32), wte)
    return out.reshape(x.shape + (D,))

# --- scband reference (transcript-rebuilt; emitter-appended) ---
"""Pipeline reference for scband-embd-43963285242650 (READ-ONLY COPY).

The authoritative reference and input builder live on the scoring server;
editing this copy changes nothing except your own understanding.
"""

import jax, jax.numpy as jnp
import numpy as np

NUM_VOCAB = 51200
MODEL_DIM = 2560

def setup_inputs(seed: int = 0) -> dict:
    key = jax.random.key(seed)
    k_idx, k_w = jax.random.split(key)
    x = jax.random.randint(k_idx, (4, 4096), 0, NUM_VOCAB, dtype=jnp.int64 if jax.config.jax_enable_x64 else jnp.int32)
    # nn.Embedding default init: N(0, 1)
    wte = jax.random.normal(k_w, (NUM_VOCAB, MODEL_DIM), dtype=jnp.float32)
    return {"x": x, "wte": wte}

def reference(x, wte):
    # Embd.forward: self.wte(x) -> embedding gather
    return jnp.take(wte, x, axis=0)

if __name__ == "__main__":
    import jax
    _d = setup_inputs()
    print(jax.jit(kernel)(*tuple(_d.values())))

</pallas_src>

<mosaic_0001>
#map = affine_map<(d0, d1) -> (0)>
#map1 = affine_map<(d0, d1) -> (0, 0)>
module attributes {stable_mosaic.version = 14 : i64} {
  func.func @emb(%arg0: i32, %arg1: i32, %arg2: memref<16384xi32, #tpu.memory_space<hbm>>, %arg3: memref<51200x2560xf32, #tpu.memory_space<hbm>>, %arg4: memref<16384x2560xf32, #tpu.memory_space<hbm>>, %arg5: memref<512xi32, #tpu.memory_space<vmem>>, %arg6: memref<8x2560xf32, #tpu.memory_space<vmem>>, %arg7: memref<8x2560xf32, #tpu.memory_space<vmem>>, %arg8: memref<8x2560xf32, #tpu.memory_space<vmem>>, %arg9: memref<8x2560xf32, #tpu.memory_space<vmem>>, %arg10: memref<8x2560xf32, #tpu.memory_space<vmem>>, %arg11: memref<8x2560xf32, #tpu.memory_space<vmem>>, %arg12: memref<!tpu.dma_semaphore, #tpu.memory_space<semaphore_mem>>, %arg13: memref<!tpu.dma_semaphore, #tpu.memory_space<semaphore_mem>>, %arg14: memref<!tpu.dma_semaphore, #tpu.memory_space<semaphore_mem>>, %arg15: memref<!tpu.dma_semaphore, #tpu.memory_space<semaphore_mem>>, %arg16: memref<!tpu.dma_semaphore, #tpu.memory_space<semaphore_mem>>, %arg17: memref<!tpu.dma_semaphore, #tpu.memory_space<semaphore_mem>>, %arg18: memref<!tpu.dma_semaphore, #tpu.memory_space<semaphore_mem>>, %arg19: memref<!tpu.dma_semaphore, #tpu.memory_space<semaphore_mem>>, %arg20: memref<!tpu.dma_semaphore, #tpu.memory_space<semaphore_mem>>, %arg21: memref<!tpu.dma_semaphore, #tpu.memory_space<semaphore_mem>>, %arg22: memref<!tpu.dma_semaphore, #tpu.memory_space<semaphore_mem>>, %arg23: memref<!tpu.dma_semaphore, #tpu.memory_space<semaphore_mem>>) attributes {dimension_semantics = [#tpu.dimension_semantics<core_parallel>, #tpu.dimension_semantics<subcore_parallel>], iteration_bounds = array<i64: 2, 16>, scalar_prefetch = 0 : i64, scratch_operands = 19 : i64, tpu.core_type = #tpu.core_type<sc_vector_subcore>, window_params = [{transform_indices = #map}, {transform_indices = #map1}, {transform_indices = #map1}]} {
    %mul3A = arith.constant 2 : i32
    %mul3A_0 = arith.muli %arg1, %mul3A : i32
    %add3A = arith.addi %mul3A_0, %arg0 : i32
    %mul3A_1 = arith.constant 512 : i32
    %mul3A_2 = arith.muli %add3A, %mul3A_1 : i32
    "tpu.region"() ({
      %run_scoped3A = tpu.sem_alloc : memref<!tpu.dma_semaphore, #tpu.memory_space<semaphore_mem>>
      %dma_start3A_55 = tpu.memref_slice %arg2[%mul3A_2] : memref<16384xi32, #tpu.memory_space<hbm>> -> memref<512xi32, #tpu.memory_space<hbm>>
      %dma_start3A_56 = tpu.memref_slice %arg2[%mul3A_2] : memref<16384xi32, #tpu.memory_space<hbm>> -> memref<512xi32, #tpu.memory_space<hbm>>
      tpu.enqueue_dma source(%dma_start3A_56 : memref<512xi32, #tpu.memory_space<hbm>>) target(%arg5 : memref<512xi32, #tpu.memory_space<vmem>>) target_semaphore(%run_scoped3A : memref<!tpu.dma_semaphore, #tpu.memory_space<semaphore_mem>>)
      %dma_wait3A_57 = tpu.memref_slice %arg2[%mul3A_2] : memref<16384xi32, #tpu.memory_space<hbm>> -> memref<512xi32, #tpu.memory_space<hbm>>
      %dma_wait3A_58 = tpu.memref_slice %arg2[%mul3A_2] : memref<16384xi32, #tpu.memory_space<hbm>> -> memref<512xi32, #tpu.memory_space<hbm>>
      tpu.wait_dma2 semaphore(%run_scoped3A : memref<!tpu.dma_semaphore, #tpu.memory_space<semaphore_mem>>) src(%dma_wait3A_58 : memref<512xi32, #tpu.memory_space<hbm>>) dst(%arg5 : memref<512xi32, #tpu.memory_space<vmem>>)
      tpu.yield
    }) : () -> ()
    %dma_start3A = arith.constant 0 : i32
    %dma_start3A_3 = tpu.memref_slice %arg5[%dma_start3A] : memref<512xi32, #tpu.memory_space<vmem>> -> memref<8xi32, #tpu.memory_space<vmem>>
    %dma_start3A_4 = arith.constant 0 : i32
    %dma_start3A_5 = arith.constant 0 : i32
    %dma_start3A_6 = tpu.memref_slice %arg3[%dma_start3A_4, %dma_start3A_5] : memref<51200x2560xf32, #tpu.memory_space<hbm>> -> memref<51200x2560xf32, #tpu.memory_space<hbm>>
    tpu.enqueue_indirect_dma source(%dma_start3A_6 : memref<51200x2560xf32, #tpu.memory_space<hbm>>) target(%arg6 : memref<8x2560xf32, #tpu.memory_space<vmem>>) offsets(%dma_start3A_3 : memref<8xi32, #tpu.memory_space<vmem>>) semaphore(%arg12 : memref<!tpu.dma_semaphore, #tpu.memory_space<semaphore_mem>>)
    %dma_start3A_7 = arith.constant 8 : i32
    %dma_start3A_8 = tpu.memref_slice %arg5[%dma_start3A_7] : memref<512xi32, #tpu.memory_space<vmem>> -> memref<8xi32, #tpu.memory_space<vmem>>
    %dma_start3A_9 = arith.constant 0 : i32
    %dma_start3A_10 = arith.constant 0 : i32
    %dma_start3A_11 = tpu.memref_slice %arg3[%dma_start3A_9, %dma_start3A_10] : memref<51200x2560xf32, #tpu.memory_space<hbm>> -> memref<51200x2560xf32, #tpu.memory_space<hbm>>
    tpu.enqueue_indirect_dma source(%dma_start3A_11 : memref<51200x2560xf32, #tpu.memory_space<hbm>>) target(%arg7 : memref<8x2560xf32, #tpu.memory_space<vmem>>) offsets(%dma_start3A_8 : memref<8xi32, #tpu.memory_space<vmem>>) semaphore(%arg13 : memref<!tpu.dma_semaphore, #tpu.memory_space<semaphore_mem>>)
    %dma_start3A_12 = arith.constant 16 : i32
    %dma_start3A_13 = tpu.memref_slice %arg5[%dma_start3A_12] : memref<512xi32, #tpu.memory_space<vmem>> -> memref<8xi32, #tpu.memory_space<vmem>>
    %dma_start3A_14 = arith.constant 0 : i32
    %dma_start3A_15 = arith.constant 0 : i32
    %dma_start3A_16 = tpu.memref_slice %arg3[%dma_start3A_14, %dma_start3A_15] : memref<51200x2560xf32, #tpu.memory_space<hbm>> -> memref<51200x2560xf32, #tpu.memory_space<hbm>>
    tpu.enqueue_indirect_dma source(%dma_start3A_16 : memref<51200x2560xf32, #tpu.memory_space<hbm>>) target(%arg8 : memref<8x2560xf32, #tpu.memory_space<vmem>>) offsets(%dma_start3A_13 : memref<8xi32, #tpu.memory_space<vmem>>) semaphore(%arg14 : memref<!tpu.dma_semaphore, #tpu.memory_space<semaphore_mem>>)
    %dma_start3A_17 = arith.constant 24 : i32
    %dma_start3A_18 = tpu.memref_slice %arg5[%dma_start3A_17] : memref<512xi32, #tpu.memory_space<vmem>> -> memref<8xi32, #tpu.memory_space<vmem>>
    %dma_start3A_19 = arith.constant 0 : i32
    %dma_start3A_20 = arith.constant 0 : i32
    %dma_start3A_21 = tpu.memref_slice %arg3[%dma_start3A_19, %dma_start3A_20] : memref<51200x2560xf32, #tpu.memory_space<hbm>> -> memref<51200x2560xf32, #tpu.memory_space<hbm>>
    tpu.enqueue_indirect_dma source(%dma_start3A_21 : memref<51200x2560xf32, #tpu.memory_space<hbm>>) target(%arg9 : memref<8x2560xf32, #tpu.memory_space<vmem>>) offsets(%dma_start3A_18 : memref<8xi32, #tpu.memory_space<vmem>>) semaphore(%arg15 : memref<!tpu.dma_semaphore, #tpu.memory_space<semaphore_mem>>)
    %dma_start3A_22 = arith.constant 32 : i32
    %dma_start3A_23 = tpu.memref_slice %arg5[%dma_start3A_22] : memref<512xi32, #tpu.memory_space<vmem>> -> memref<8xi32, #tpu.memory_space<vmem>>
    %dma_start3A_24 = arith.constant 0 : i32
    %dma_start3A_25 = arith.constant 0 : i32
    %dma_start3A_26 = tpu.memref_slice %arg3[%dma_start3A_24, %dma_start3A_25] : memref<51200x2560xf32, #tpu.memory_space<hbm>> -> memref<51200x2560xf32, #tpu.memory_space<hbm>>
    tpu.enqueue_indirect_dma source(%dma_start3A_26 : memref<51200x2560xf32, #tpu.memory_space<hbm>>) target(%arg10 : memref<8x2560xf32, #tpu.memory_space<vmem>>) offsets(%dma_start3A_23 : memref<8xi32, #tpu.memory_space<vmem>>) semaphore(%arg16 : memref<!tpu.dma_semaphore, #tpu.memory_space<semaphore_mem>>)
    %scan3A = arith.constant 0 : i32
    %scan3A_27 = arith.constant 0 : i32
    %scan3A_28 = arith.constant 64 : i32
    %scan3A_29 = arith.addi %scan3A_27, %scan3A_28 : i32
    %scan3A_30 = arith.constant 1 : i32
    scf.for %scan3A_55 = %scan3A_27 to %scan3A_29 step %scan3A_30  : i32 {
      %rem3A = arith.constant 6 : i32
      %rem3A_56 = arith.remsi %scan3A_55, %rem3A : i32
      %eq3A = arith.constant 0 : i32
      %eq3A_57 = arith.cmpi eq, %rem3A_56, %eq3A : i32
      %convert_element_type3A = arith.extui %eq3A_57 : i1 to i32
      %cond3A = arith.constant 0 : i32
      %cond3A_58 = arith.cmpi ne, %convert_element_type3A, %cond3A : i32
      scf.if %cond3A_58 {
        %add3A_94 = arith.constant 6 : i32
        %add3A_95 = arith.addi %scan3A_55, %add3A_94 : i32
        %sub3A = arith.constant 1 : i32
        %sub3A_96 = arith.subi %add3A_95, %sub3A : i32
        %lt3A = arith.constant 64 : i32
        %lt3A_97 = arith.cmpi slt, %sub3A_96, %lt3A : i32
        %ge3A = arith.constant 1 : i32
        %ge3A_98 = arith.cmpi sge, %scan3A_55, %ge3A : i32
        %and3A = arith.andi %lt3A_97, %ge3A_98 : i1
        %convert_element_type3A_99 = arith.extui %and3A : i1 to i32
        %cond3A_100 = arith.constant 0 : i32
        %cond3A_101 = arith.cmpi ne, %convert_element_type3A_99, %cond3A_100 : i32
        scf.if %cond3A_101 {
          %sub3A_124 = arith.constant 1 : i32
          %sub3A_125 = arith.subi %scan3A_55, %sub3A_124 : i32
          %mul3A_126 = arith.constant 8 : i32
          %mul3A_127 = arith.muli %sub3A_125, %mul3A_126 : i32
          %add3A_128 = arith.addi %mul3A_2, %mul3A_127 : i32
          %dma_wait3A_129 = arith.constant 0 : i32
          %dma_wait3A_130 = tpu.memref_slice %arg4[%add3A_128, %dma_wait3A_129] : memref<16384x2560xf32, #tpu.memory_space<hbm>> -> memref<8x2560xf32, #tpu.memory_space<hbm>>
          %dma_wait3A_131 = arith.constant 0 : i32
          %dma_wait3A_132 = tpu.memref_slice %arg4[%add3A_128, %dma_wait3A_131] : memref<16384x2560xf32, #tpu.memory_space<hbm>> -> memref<8x2560xf32, #tpu.memory_space<hbm>>
          tpu.wait_dma2 semaphore(%arg23 : memref<!tpu.dma_semaphore, #tpu.memory_space<semaphore_mem>>) src(%arg11 : memref<8x2560xf32, #tpu.memory_space<vmem>>) dst(%dma_wait3A_132 : memref<8x2560xf32, #tpu.memory_space<hbm>>)
        } else {
        }
        %add3A_102 = arith.constant 6 : i32
        %add3A_103 = arith.addi %scan3A_55, %add3A_102 : i32
        %sub3A_104 = arith.constant 1 : i32
        %sub3A_105 = arith.subi %add3A_103, %sub3A_104 : i32
        %lt3A_106 = arith.constant 64 : i32
        %lt3A_107 = arith.cmpi slt, %sub3A_105, %lt3A_106 : i32
        %convert_element_type3A_108 = arith.extui %lt3A_107 : i1 to i32
        %cond3A_109 = arith.constant 0 : i32
        %cond3A_110 = arith.cmpi ne, %convert_element_type3A_108, %cond3A_109 : i32
        scf.if %cond3A_110 {
          %add3A_124 = arith.constant 6 : i32
          %add3A_125 = arith.addi %scan3A_55, %add3A_124 : i32
          %sub3A_126 = arith.constant 1 : i32
          %sub3A_127 = arith.subi %add3A_125, %sub3A_126 : i32
          %mul3A_128 = arith.constant 8 : i32
          %mul3A_129 = arith.muli %sub3A_127, %mul3A_128 : i32
          %dma_start3A_130 = tpu.memref_slice %arg5[%mul3A_129] : memref<512xi32, #tpu.memory_space<vmem>> -> memref<8xi32, #tpu.memory_space<vmem>>
          %dma_start3A_131 = arith.constant 0 : i32
          %dma_start3A_132 = arith.constant 0 : i32
          %dma_start3A_133 = tpu.memref_slice %arg3[%dma_start3A_131, %dma_start3A_132] : memref<51200x2560xf32, #tpu.memory_space<hbm>> -> memref<51200x2560xf32, #tpu.memory_space<hbm>>
          tpu.enqueue_indirect_dma source(%dma_start3A_133 : memref<51200x2560xf32, #tpu.memory_space<hbm>>) target(%arg11 : memref<8x2560xf32, #tpu.memory_space<vmem>>) offsets(%dma_start3A_130 : memref<8xi32, #tpu.memory_space<vmem>>) semaphore(%arg17 : memref<!tpu.dma_semaphore, #tpu.memory_space<semaphore_mem>>)
        } else {
        }
        %mul3A_111 = arith.constant 8 : i32
        %mul3A_112 = arith.muli %scan3A_55, %mul3A_111 : i32
        %dma_wait3A_113 = tpu.memref_slice %arg5[%mul3A_112] : memref<512xi32, #tpu.memory_space<vmem>> -> memref<8xi32, #tpu.memory_space<vmem>>
        %dma_wait3A_114 = arith.constant 0 : i32
        %dma_wait3A_115 = arith.constant 0 : i32
        %dma_wait3A_116 = tpu.memref_slice %arg3[%dma_wait3A_114, %dma_wait3A_115] : memref<51200x2560xf32, #tpu.memory_space<hbm>> -> memref<51200x2560xf32, #tpu.memory_space<hbm>>
        tpu.wait_indirect_dma semaphore(%arg12 : memref<!tpu.dma_semaphore, #tpu.memory_space<semaphore_mem>>) src(%dma_wait3A_116 : memref<51200x2560xf32, #tpu.memory_space<hbm>>) dst(%arg6 : memref<8x2560xf32, #tpu.memory_space<vmem>>)
        %mul3A_117 = arith.constant 8 : i32
        %mul3A_118 = arith.muli %scan3A_55, %mul3A_117 : i32
        %add3A_119 = arith.addi %mul3A_2, %mul3A_118 : i32
        %dma_start3A_120 = arith.constant 0 : i32
        %dma_start3A_121 = tpu.memref_slice %arg4[%add3A_119, %dma_start3A_120] : memref<16384x2560xf32, #tpu.memory_space<hbm>> -> memref<8x2560xf32, #tpu.memory_space<hbm>>
        %dma_start3A_122 = arith.constant 0 : i32
        %dma_start3A_123 = tpu.memref_slice %arg4[%add3A_119, %dma_start3A_122] : memref<16384x2560xf32, #tpu.memory_space<hbm>> -> memref<8x2560xf32, #tpu.memory_space<hbm>>
        tpu.enqueue_dma source(%arg6 : memref<8x2560xf32, #tpu.memory_space<vmem>>) target(%dma_start3A_123 : memref<8x2560xf32, #tpu.memory_space<hbm>>) target_semaphore(%arg18 : memref<!tpu.dma_semaphore, #tpu.memory_space<semaphore_mem>>)
      } else {
      }
      %rem3A_59 = arith.constant 6 : i32
      %rem3A_60 = arith.remsi %scan3A_55, %rem3A_59 : i32
      %eq3A_61 = arith.constant 1 : i32
      %eq3A_62 = arith.cmpi eq, %rem3A_60, %eq3A_61 : i32
      %convert_element_type3A_63 = arith.extui %eq3A_62 : i1 to i32
      %cond3A_64 = arith.constant 0 : i32
      %cond3A_65 = arith.cmpi ne, %convert_element_type3A_63, %cond3A_64 : i32
      scf.if %cond3A_65 {
        %add3A_94 = arith.constant 6 : i32
        %add3A_95 = arith.addi %scan3A_55, %add3A_94 : i32
        %sub3A = arith.constant 1 : i32
        %sub3A_96 = arith.subi %add3A_95, %sub3A : i32
        %lt3A = arith.constant 64 : i32
        %lt3A_97 = arith.cmpi slt, %sub3A_96, %lt3A : i32
        %ge3A = arith.constant 1 : i32
        %ge3A_98 = arith.cmpi sge, %scan3A_55, %ge3A : i32
        %and3A = arith.andi %lt3A_97, %ge3A_98 : i1
        %convert_element_type3A_99 = arith.extui %and3A : i1 to i32
        %cond3A_100 = arith.constant 0 : i32
        %cond3A_101 = arith.cmpi ne, %convert_element_type3A_99, %cond3A_100 : i32
        scf.if %cond3A_101 {
          %sub3A_124 = arith.constant 1 : i32
          %sub3A_125 = arith.subi %scan3A_55, %sub3A_124 : i32
          %mul3A_126 = arith.constant 8 : i32
          %mul3A_127 = arith.muli %sub3A_125, %mul3A_126 : i32
          %add3A_128 = arith.addi %mul3A_2, %mul3A_127 : i32
          %dma_wait3A_129 = arith.constant 0 : i32
          %dma_wait3A_130 = tpu.memref_slice %arg4[%add3A_128, %dma_wait3A_129] : memref<16384x2560xf32, #tpu.memory_space<hbm>> -> memref<8x2560xf32, #tpu.memory_space<hbm>>
          %dma_wait3A_131 = arith.constant 0 : i32
          %dma_wait3A_132 = tpu.memref_slice %arg4[%add3A_128, %dma_wait3A_131] : memref<16384x2560xf32, #tpu.memory_space<hbm>> -> memref<8x2560xf32, #tpu.memory_space<hbm>>
          tpu.wait_dma2 semaphore(%arg18 : memref<!tpu.dma_semaphore, #tpu.memory_space<semaphore_mem>>) src(%arg6 : memref<8x2560xf32, #tpu.memory_space<vmem>>) dst(%dma_wait3A_132 : memref<8x2560xf32, #tpu.memory_space<hbm>>)
        } else {
        }
        %add3A_102 = arith.constant 6 : i32
        %add3A_103 = arith.addi %scan3A_55, %add3A_102 : i32
        %sub3A_104 = arith.constant 1 : i32
        %sub3A_105 = arith.subi %add3A_103, %sub3A_104 : i32
        %lt3A_106 = arith.constant 64 : i32
        %lt3A_107 = arith.cmpi slt, %sub3A_105, %lt3A_106 : i32
        %convert_element_type3A_108 = arith.extui %lt3A_107 : i1 to i32
        %cond3A_109 = arith.constant 0 : i32
        %cond3A_110 = arith.cmpi ne, %convert_element_type3A_108, %cond3A_109 : i32
        scf.if %cond3A_110 {
          %add3A_124 = arith.constant 6 : i32
          %add3A_125 = arith.addi %scan3A_55, %add3A_124 : i32
          %sub3A_126 = arith.constant 1 : i32
          %sub3A_127 = arith.subi %add3A_125, %sub3A_126 : i32
          %mul3A_128 = arith.constant 8 : i32
          %mul3A_129 = arith.muli %sub3A_127, %mul3A_128 : i32
          %dma_start3A_130 = tpu.memref_slice %arg5[%mul3A_129] : memref<512xi32, #tpu.memory_space<vmem>> -> memref<8xi32, #tpu.memory_space<vmem>>
          %dma_start3A_131 = arith.constant 0 : i32
          %dma_start3A_132 = arith.constant 0 : i32
          %dma_start3A_133 = tpu.memref_slice %arg3[%dma_start3A_131, %dma_start3A_132] : memref<51200x2560xf32, #tpu.memory_space<hbm>> -> memref<51200x2560xf32, #tpu.memory_space<hbm>>
          tpu.enqueue_indirect_dma source(%dma_start3A_133 : memref<51200x2560xf32, #tpu.memory_space<hbm>>) target(%arg6 : memref<8x2560xf32, #tpu.memory_space<vmem>>) offsets(%dma_start3A_130 : memref<8xi32, #tpu.memory_space<vmem>>) semaphore(%arg12 : memref<!tpu.dma_semaphore, #tpu.memory_space<semaphore_mem>>)
        } else {
        }
        %mul3A_111 = arith.constant 8 : i32
        %mul3A_112 = arith.muli %scan3A_55, %mul3A_111 : i32
        %dma_wait3A_113 = tpu.memref_slice %arg5[%mul3A_112] : memref<512xi32, #tpu.memory_space<vmem>> -> memref<8xi32, #tpu.memory_space<vmem>>
        %dma_wait3A_114 = arith.constant 0 : i32
        %dma_wait3A_115 = arith.constant 0 : i32
        %dma_wait3A_116 = tpu.memref_slice %arg3[%dma_wait3A_114, %dma_wait3A_115] : memref<51200x2560xf32, #tpu.memory_space<hbm>> -> memref<51200x2560xf32, #tpu.memory_space<hbm>>
        tpu.wait_indirect_dma semaphore(%arg13 : memref<!tpu.dma_semaphore, #tpu.memory_space<semaphore_mem>>) src(%dma_wait3A_116 : memref<51200x2560xf32, #tpu.memory_space<hbm>>) dst(%arg7 : memref<8x2560xf32, #tpu.memory_space<vmem>>)
        %mul3A_117 = arith.constant 8 : i32
        %mul3A_118 = arith.muli %scan3A_55, %mul3A_117 : i32
        %add3A_119 = arith.addi %mul3A_2, %mul3A_118 : i32
        %dma_start3A_120 = arith.constant 0 : i32
        %dma_start3A_121 = tpu.memref_slice %arg4[%add3A_119, %dma_start3A_120] : memref<16384x2560xf32, #tpu.memory_space<hbm>> -> memref<8x2560xf32, #tpu.memory_space<hbm>>
        %dma_start3A_122 = arith.constant 0 : i32
        %dma_start3A_123 = tpu.memref_slice %arg4[%add3A_119, %dma_start3A_122] : memref<16384x2560xf32, #tpu.memory_space<hbm>> -> memref<8x2560xf32, #tpu.memory_space<hbm>>
        tpu.enqueue_dma source(%arg7 : memref<8x2560xf32, #tpu.memory_space<vmem>>) target(%dma_start3A_123 : memref<8x2560xf32, #tpu.memory_space<hbm>>) target_semaphore(%arg19 : memref<!tpu.dma_semaphore, #tpu.memory_space<semaphore_mem>>)
      } else {
      }
      %rem3A_66 = arith.constant 6 : i32
      %rem3A_67 = arith.remsi %scan3A_55, %rem3A_66 : i32
      %eq3A_68 = arith.constant 2 : i32
      %eq3A_69 = arith.cmpi eq, %rem3A_67, %eq3A_68 : i32
      %convert_element_type3A_70 = arith.extui %eq3A_69 : i1 to i32
      %cond3A_71 = arith.constant 0 : i32
      %cond3A_72 = arith.cmpi ne, %convert_element_type3A_70, %cond3A_71 : i32
      scf.if %cond3A_72 {
        %add3A_94 = arith.constant 6 : i32
        %add3A_95 = arith.addi %scan3A_55, %add3A_94 : i32
        %sub3A = arith.constant 1 : i32
        %sub3A_96 = arith.subi %add3A_95, %sub3A : i32
        %lt3A = arith.constant 64 : i32
        %lt3A_97 = arith.cmpi slt, %sub3A_96, %lt3A : i32
        %ge3A = arith.constant 1 : i32
        %ge3A_98 = arith.cmpi sge, %scan3A_55, %ge3A : i32
        %and3A = arith.andi %lt3A_97, %ge3A_98 : i1
        %convert_element_type3A_99 = arith.extui %and3A : i1 to i32
        %cond3A_100 = arith.constant 0 : i32
        %cond3A_101 = arith.cmpi ne, %convert_element_type3A_99, %cond3A_100 : i32
        scf.if %cond3A_101 {
          %sub3A_124 = arith.constant 1 : i32
          %sub3A_125 = arith.subi %scan3A_55, %sub3A_124 : i32
          %mul3A_126 = arith.constant 8 : i32
          %mul3A_127 = arith.muli %sub3A_125, %mul3A_126 : i32
          %add3A_128 = arith.addi %mul3A_2, %mul3A_127 : i32
          %dma_wait3A_129 = arith.constant 0 : i32
          %dma_wait3A_130 = tpu.memref_slice %arg4[%add3A_128, %dma_wait3A_129] : memref<16384x2560xf32, #tpu.memory_space<hbm>> -> memref<8x2560xf32, #tpu.memory_space<hbm>>
          %dma_wait3A_131 = arith.constant 0 : i32
          %dma_wait3A_132 = tpu.memref_slice %arg4[%add3A_128, %dma_wait3A_131] : memref<16384x2560xf32, #tpu.memory_space<hbm>> -> memref<8x2560xf32, #tpu.memory_space<hbm>>
          tpu.wait_dma2 semaphore(%arg19 : memref<!tpu.dma_semaphore, #tpu.memory_space<semaphore_mem>>) src(%arg7 : memref<8x2560xf32, #tpu.memory_space<vmem>>) dst(%dma_wait3A_132 : memref<8x2560xf32, #tpu.memory_space<hbm>>)
        } else {
        }
        %add3A_102 = arith.constant 6 : i32
        %add3A_103 = arith.addi %scan3A_55, %add3A_102 : i32
        %sub3A_104 = arith.constant 1 : i32
        %sub3A_105 = arith.subi %add3A_103, %sub3A_104 : i32
        %lt3A_106 = arith.constant 64 : i32
        %lt3A_107 = arith.cmpi slt, %sub3A_105, %lt3A_106 : i32
        %convert_element_type3A_108 = arith.extui %lt3A_107 : i1 to i32
        %cond3A_109 = arith.constant 0 : i32
        %cond3A_110 = arith.cmpi ne, %convert_element_type3A_108, %cond3A_109 : i32
        scf.if %cond3A_110 {
          %add3A_124 = arith.constant 6 : i32
          %add3A_125 = arith.addi %scan3A_55, %add3A_124 : i32
          %sub3A_126 = arith.constant 1 : i32
          %sub3A_127 = arith.subi %add3A_125, %sub3A_126 : i32
          %mul3A_128 = arith.constant 8 : i32
          %mul3A_129 = arith.muli %sub3A_127, %mul3A_128 : i32
          %dma_start3A_130 = tpu.memref_slice %arg5[%mul3A_129] : memref<512xi32, #tpu.memory_space<vmem>> -> memref<8xi32, #tpu.memory_space<vmem>>
          %dma_start3A_131 = arith.constant 0 : i32
          %dma_start3A_132 = arith.constant 0 : i32
          %dma_start3A_133 = tpu.memref_slice %arg3[%dma_start3A_131, %dma_start3A_132] : memref<51200x2560xf32, #tpu.memory_space<hbm>> -> memref<51200x2560xf32, #tpu.memory_space<hbm>>
          tpu.enqueue_indirect_dma source(%dma_start3A_133 : memref<51200x2560xf32, #tpu.memory_space<hbm>>) target(%arg7 : memref<8x2560xf32, #tpu.memory_space<vmem>>) offsets(%dma_start3A_130 : memref<8xi32, #tpu.memory_space<vmem>>) semaphore(%arg13 : memref<!tpu.dma_semaphore, #tpu.memory_space<semaphore_mem>>)
        } else {
        }
        %mul3A_111 = arith.constant 8 : i32
        %mul3A_112 = arith.muli %scan3A_55, %mul3A_111 : i32
        %dma_wait3A_113 = tpu.memref_slice %arg5[%mul3A_112] : memref<512xi32, #tpu.memory_space<vmem>> -> memref<8xi32, #tpu.memory_space<vmem>>
        %dma_wait3A_114 = arith.constant 0 : i32
        %dma_wait3A_115 = arith.constant 0 : i32
        %dma_wait3A_116 = tpu.memref_slice %arg3[%dma_wait3A_114, %dma_wait3A_115] : memref<51200x2560xf32, #tpu.memory_space<hbm>> -> memref<51200x2560xf32, #tpu.memory_space<hbm>>
        tpu.wait_indirect_dma semaphore(%arg14 : memref<!tpu.dma_semaphore, #tpu.memory_space<semaphore_mem>>) src(%dma_wait3A_116 : memref<51200x2560xf32, #tpu.memory_space<hbm>>) dst(%arg8 : memref<8x2560xf32, #tpu.memory_space<vmem>>)
        %mul3A_117 = arith.constant 8 : i32
        %mul3A_118 = arith.muli %scan3A_55, %mul3A_117 : i32
        %add3A_119 = arith.addi %mul3A_2, %mul3A_118 : i32
        %dma_start3A_120 = arith.constant 0 : i32
        %dma_start3A_121 = tpu.memref_slice %arg4[%add3A_119, %dma_start3A_120] : memref<16384x2560xf32, #tpu.memory_space<hbm>> -> memref<8x2560xf32, #tpu.memory_space<hbm>>
        %dma_start3A_122 = arith.constant 0 : i32
        %dma_start3A_123 = tpu.memref_slice %arg4[%add3A_119, %dma_start3A_122] : memref<16384x2560xf32, #tpu.memory_space<hbm>> -> memref<8x2560xf32, #tpu.memory_space<hbm>>
        tpu.enqueue_dma source(%arg8 : memref<8x2560xf32, #tpu.memory_space<vmem>>) target(%dma_start3A_123 : memref<8x2560xf32, #tpu.memory_space<hbm>>) target_semaphore(%arg20 : memref<!tpu.dma_semaphore, #tpu.memory_space<semaphore_mem>>)
      } else {
      }
      %rem3A_73 = arith.constant 6 : i32
      %rem3A_74 = arith.remsi %scan3A_55, %rem3A_73 : i32
      %eq3A_75 = arith.constant 3 : i32
      %eq3A_76 = arith.cmpi eq, %rem3A_74, %eq3A_75 : i32
      %convert_element_type3A_77 = arith.extui %eq3A_76 : i1 to i32
      %cond3A_78 = arith.constant 0 : i32
      %cond3A_79 = arith.cmpi ne, %convert_element_type3A_77, %cond3A_78 : i32
      scf.if %cond3A_79 {
        %add3A_94 = arith.constant 6 : i32
        %add3A_95 = arith.addi %scan3A_55, %add3A_94 : i32
        %sub3A = arith.constant 1 : i32
        %sub3A_96 = arith.subi %add3A_95, %sub3A : i32
        %lt3A = arith.constant 64 : i32
        %lt3A_97 = arith.cmpi slt, %sub3A_96, %lt3A : i32
        %ge3A = arith.constant 1 : i32
        %ge3A_98 = arith.cmpi sge, %scan3A_55, %ge3A : i32
        %and3A = arith.andi %lt3A_97, %ge3A_98 : i1
        %convert_element_type3A_99 = arith.extui %and3A : i1 to i32
        %cond3A_100 = arith.constant 0 : i32
        %cond3A_101 = arith.cmpi ne, %convert_element_type3A_99, %cond3A_100 : i32
        scf.if %cond3A_101 {
          %sub3A_124 = arith.constant 1 : i32
          %sub3A_125 = arith.subi %scan3A_55, %sub3A_124 : i32
          %mul3A_126 = arith.constant 8 : i32
          %mul3A_127 = arith.muli %sub3A_125, %mul3A_126 : i32
          %add3A_128 = arith.addi %mul3A_2, %mul3A_127 : i32
          %dma_wait3A_129 = arith.constant 0 : i32
          %dma_wait3A_130 = tpu.memref_slice %arg4[%add3A_128, %dma_wait3A_129] : memref<16384x2560xf32, #tpu.memory_space<hbm>> -> memref<8x2560xf32, #tpu.memory_space<hbm>>
          %dma_wait3A_131 = arith.constant 0 : i32
          %dma_wait3A_132 = tpu.memref_slice %arg4[%add3A_128, %dma_wait3A_131] : memref<16384x2560xf32, #tpu.memory_space<hbm>> -> memref<8x2560xf32, #tpu.memory_space<hbm>>
          tpu.wait_dma2 semaphore(%arg20 : memref<!tpu.dma_semaphore, #tpu.memory_space<semaphore_mem>>) src(%arg8 : memref<8x2560xf32, #tpu.memory_space<vmem>>) dst(%dma_wait3A_132 : memref<8x2560xf32, #tpu.memory_space<hbm>>)
        } else {
        }
        %add3A_102 = arith.constant 6 : i32
        %add3A_103 = arith.addi %scan3A_55, %add3A_102 : i32
        %sub3A_104 = arith.constant 1 : i32
        %sub3A_105 = arith.subi %add3A_103, %sub3A_104 : i32
        %lt3A_106 = arith.constant 64 : i32
        %lt3A_107 = arith.cmpi slt, %sub3A_105, %lt3A_106 : i32
        %convert_element_type3A_108 = arith.extui %lt3A_107 : i1 to i32
        %cond3A_109 = arith.constant 0 : i32
        %cond3A_110 = arith.cmpi ne, %convert_element_type3A_108, %cond3A_109 : i32
        scf.if %cond3A_110 {
          %add3A_124 = arith.constant 6 : i32
          %add3A_125 = arith.addi %scan3A_55, %add3A_124 : i32
          %sub3A_126 = arith.constant 1 : i32
          %sub3A_127 = arith.subi %add3A_125, %sub3A_126 : i32
          %mul3A_128 = arith.constant 8 : i32
          %mul3A_129 = arith.muli %sub3A_127, %mul3A_128 : i32
          %dma_start3A_130 = tpu.memref_slice %arg5[%mul3A_129] : memref<512xi32, #tpu.memory_space<vmem>> -> memref<8xi32, #tpu.memory_space<vmem>>
          %dma_start3A_131 = arith.constant 0 : i32
          %dma_start3A_132 = arith.constant 0 : i32
          %dma_start3A_133 = tpu.memref_slice %arg3[%dma_start3A_131, %dma_start3A_132] : memref<51200x2560xf32, #tpu.memory_space<hbm>> -> memref<51200x2560xf32, #tpu.memory_space<hbm>>
          tpu.enqueue_indirect_dma source(%dma_start3A_133 : memref<51200x2560xf32, #tpu.memory_space<hbm>>) target(%arg8 : memref<8x2560xf32, #tpu.memory_space<vmem>>) offsets(%dma_start3A_130 : memref<8xi32, #tpu.memory_space<vmem>>) semaphore(%arg14 : memref<!tpu.dma_semaphore, #tpu.memory_space<semaphore_mem>>)
        } else {
        }
        %mul3A_111 = arith.constant 8 : i32
        %mul3A_112 = arith.muli %scan3A_55, %mul3A_111 : i32
        %dma_wait3A_113 = tpu.memref_slice %arg5[%mul3A_112] : memref<512xi32, #tpu.memory_space<vmem>> -> memref<8xi32, #tpu.memory_space<vmem>>
        %dma_wait3A_114 = arith.constant 0 : i32
        %dma_wait3A_115 = arith.constant 0 : i32
        %dma_wait3A_116 = tpu.memref_slice %arg3[%dma_wait3A_114, %dma_wait3A_115] : memref<51200x2560xf32, #tpu.memory_space<hbm>> -> memref<51200x2560xf32, #tpu.memory_space<hbm>>
        tpu.wait_indirect_dma semaphore(%arg15 : memref<!tpu.dma_semaphore, #tpu.memory_space<semaphore_mem>>) src(%dma_wait3A_116 : memref<51200x2560xf32, #tpu.memory_space<hbm>>) dst(%arg9 : memref<8x2560xf32, #tpu.memory_space<vmem>>)
        %mul3A_117 = arith.constant 8 : i32
        %mul3A_118 = arith.muli %scan3A_55, %mul3A_117 : i32
        %add3A_119 = arith.addi %mul3A_2, %mul3A_118 : i32
        %dma_start3A_120 = arith.constant 0 : i32
        %dma_start3A_121 = tpu.memref_slice %arg4[%add3A_119, %dma_start3A_120] : memref<16384x2560xf32, #tpu.memory_space<hbm>> -> memref<8x2560xf32, #tpu.memory_space<hbm>>
        %dma_start3A_122 = arith.constant 0 : i32
        %dma_start3A_123 = tpu.memref_slice %arg4[%add3A_119, %dma_start3A_122] : memref<16384x2560xf32, #tpu.memory_space<hbm>> -> memref<8x2560xf32, #tpu.memory_space<hbm>>
        tpu.enqueue_dma source(%arg9 : memref<8x2560xf32, #tpu.memory_space<vmem>>) target(%dma_start3A_123 : memref<8x2560xf32, #tpu.memory_space<hbm>>) target_semaphore(%arg21 : memref<!tpu.dma_semaphore, #tpu.memory_space<semaphore_mem>>)
      } else {
      }
      %rem3A_80 = arith.constant 6 : i32
      %rem3A_81 = arith.remsi %scan3A_55, %rem3A_80 : i32
      %eq3A_82 = arith.constant 4 : i32
      %eq3A_83 = arith.cmpi eq, %rem3A_81, %eq3A_82 : i32
      %convert_element_type3A_84 = arith.extui %eq3A_83 : i1 to i32
      %cond3A_85 = arith.constant 0 : i32
      %cond3A_86 = arith.cmpi ne, %convert_element_type3A_84, %cond3A_85 : i32
      scf.if %cond3A_86 {
        %add3A_94 = arith.constant 6 : i32
        %add3A_95 = arith.addi %scan3A_55, %add3A_94 : i32
        %sub3A = arith.constant 1 : i32
        %sub3A_96 = arith.subi %add3A_95, %sub3A : i32
        %lt3A = arith.constant 64 : i32
        %lt3A_97 = arith.cmpi slt, %sub3A_96, %lt3A : i32
        %ge3A = arith.constant 1 : i32
        %ge3A_98 = arith.cmpi sge, %scan3A_55, %ge3A : i32
        %and3A = arith.andi %lt3A_97, %ge3A_98 : i1
        %convert_element_type3A_99 = arith.extui %and3A : i1 to i32
        %cond3A_100 = arith.constant 0 : i32
        %cond3A_101 = arith.cmpi ne, %convert_element_type3A_99, %cond3A_100 : i32
        scf.if %cond3A_101 {
          %sub3A_124 = arith.constant 1 : i32
          %sub3A_125 = arith.subi %scan3A_55, %sub3A_124 : i32
          %mul3A_126 = arith.constant 8 : i32
          %mul3A_127 = arith.muli %sub3A_125, %mul3A_126 : i32
          %add3A_128 = arith.addi %mul3A_2, %mul3A_127 : i32
          %dma_wait3A_129 = arith.constant 0 : i32
          %dma_wait3A_130 = tpu.memref_slice %arg4[%add3A_128, %dma_wait3A_129] : memref<16384x2560xf32, #tpu.memory_space<hbm>> -> memref<8x2560xf32, #tpu.memory_space<hbm>>
          %dma_wait3A_131 = arith.constant 0 : i32
          %dma_wait3A_132 = tpu.memref_slice %arg4[%add3A_128, %dma_wait3A_131] : memref<16384x2560xf32, #tpu.memory_space<hbm>> -> memref<8x2560xf32, #tpu.memory_space<hbm>>
          tpu.wait_dma2 semaphore(%arg21 : memref<!tpu.dma_semaphore, #tpu.memory_space<semaphore_mem>>) src(%arg9 : memref<8x2560xf32, #tpu.memory_space<vmem>>) dst(%dma_wait3A_132 : memref<8x2560xf32, #tpu.memory_space<hbm>>)
        } else {
        }
        %add3A_102 = arith.constant 6 : i32
        %add3A_103 = arith.addi %scan3A_55, %add3A_102 : i32
        %sub3A_104 = arith.constant 1 : i32
        %sub3A_105 = arith.subi %add3A_103, %sub3A_104 : i32
        %lt3A_106 = arith.constant 64 : i32
        %lt3A_107 = arith.cmpi slt, %sub3A_105, %lt3A_106 : i32
        %convert_element_type3A_108 = arith.extui %lt3A_107 : i1 to i32
        %cond3A_109 = arith.constant 0 : i32
        %cond3A_110 = arith.cmpi ne, %convert_element_type3A_108, %cond3A_109 : i32
        scf.if %cond3A_110 {
          %add3A_124 = arith.constant 6 : i32
          %add3A_125 = arith.addi %scan3A_55, %add3A_124 : i32
          %sub3A_126 = arith.constant 1 : i32
          %sub3A_127 = arith.subi %add3A_125, %sub3A_126 : i32
          %mul3A_128 = arith.constant 8 : i32
          %mul3A_129 = arith.muli %sub3A_127, %mul3A_128 : i32
          %dma_start3A_130 = tpu.memref_slice %arg5[%mul3A_129] : memref<512xi32, #tpu.memory_space<vmem>> -> memref<8xi32, #tpu.memory_space<vmem>>
          %dma_start3A_131 = arith.constant 0 : i32
          %dma_start3A_132 = arith.constant 0 : i32
          %dma_start3A_133 = tpu.memref_slice %arg3[%dma_start3A_131, %dma_start3A_132] : memref<51200x2560xf32, #tpu.memory_space<hbm>> -> memref<51200x2560xf32, #tpu.memory_space<hbm>>
          tpu.enqueue_indirect_dma source(%dma_start3A_133 : memref<51200x2560xf32, #tpu.memory_space<hbm>>) target(%arg9 : memref<8x2560xf32, #tpu.memory_space<vmem>>) offsets(%dma_start3A_130 : memref<8xi32, #tpu.memory_space<vmem>>) semaphore(%arg15 : memref<!tpu.dma_semaphore, #tpu.memory_space<semaphore_mem>>)
        } else {
        }
        %mul3A_111 = arith.constant 8 : i32
        %mul3A_112 = arith.muli %scan3A_55, %mul3A_111 : i32
        %dma_wait3A_113 = tpu.memref_slice %arg5[%mul3A_112] : memref<512xi32, #tpu.memory_space<vmem>> -> memref<8xi32, #tpu.memory_space<vmem>>
        %dma_wait3A_114 = arith.constant 0 : i32
        %dma_wait3A_115 = arith.constant 0 : i32
        %dma_wait3A_116 = tpu.memref_slice %arg3[%dma_wait3A_114, %dma_wait3A_115] : memref<51200x2560xf32, #tpu.memory_space<hbm>> -> memref<51200x2560xf32, #tpu.memory_space<hbm>>
        tpu.wait_indirect_dma semaphore(%arg16 : memref<!tpu.dma_semaphore, #tpu.memory_space<semaphore_mem>>) src(%dma_wait3A_116 : memref<51200x2560xf32, #tpu.memory_space<hbm>>) dst(%arg10 : memref<8x2560xf32, #tpu.memory_space<vmem>>)
        %mul3A_117 = arith.constant 8 : i32
        %mul3A_118 = arith.muli %scan3A_55, %mul3A_117 : i32
        %add3A_119 = arith.addi %mul3A_2, %mul3A_118 : i32
        %dma_start3A_120 = arith.constant 0 : i32
        %dma_start3A_121 = tpu.memref_slice %arg4[%add3A_119, %dma_start3A_120] : memref<16384x2560xf32, #tpu.memory_space<hbm>> -> memref<8x2560xf32, #tpu.memory_space<hbm>>
        %dma_start3A_122 = arith.constant 0 : i32
        %dma_start3A_123 = tpu.memref_slice %arg4[%add3A_119, %dma_start3A_122] : memref<16384x2560xf32, #tpu.memory_space<hbm>> -> memref<8x2560xf32, #tpu.memory_space<hbm>>
        tpu.enqueue_dma source(%arg10 : memref<8x2560xf32, #tpu.memory_space<vmem>>) target(%dma_start3A_123 : memref<8x2560xf32, #tpu.memory_space<hbm>>) target_semaphore(%arg22 : memref<!tpu.dma_semaphore, #tpu.memory_space<semaphore_mem>>)
      } else {
      }
      %rem3A_87 = arith.constant 6 : i32
      %rem3A_88 = arith.remsi %scan3A_55, %rem3A_87 : i32
      %eq3A_89 = arith.constant 5 : i32
      %eq3A_90 = arith.cmpi eq, %rem3A_88, %eq3A_89 : i32
      %convert_element_type3A_91 = arith.extui %eq3A_90 : i1 to i32
      %cond3A_92 = arith.constant 0 : i32
      %cond3A_93 = arith.cmpi ne, %convert_element_type3A_91, %cond3A_92 : i32
      scf.if %cond3A_93 {
        %add3A_94 = arith.constant 6 : i32
        %add3A_95 = arith.addi %scan3A_55, %add3A_94 : i32
        %sub3A = arith.constant 1 : i32
        %sub3A_96 = arith.subi %add3A_95, %sub3A : i32
        %lt3A = arith.constant 64 : i32
        %lt3A_97 = arith.cmpi slt, %sub3A_96, %lt3A : i32
        %ge3A = arith.constant 1 : i32
        %ge3A_98 = arith.cmpi sge, %scan3A_55, %ge3A : i32
        %and3A = arith.andi %lt3A_97, %ge3A_98 : i1
        %convert_element_type3A_99 = arith.extui %and3A : i1 to i32
        %cond3A_100 = arith.constant 0 : i32
        %cond3A_101 = arith.cmpi ne, %convert_element_type3A_99, %cond3A_100 : i32
        scf.if %cond3A_101 {
          %sub3A_124 = arith.constant 1 : i32
          %sub3A_125 = arith.subi %scan3A_55, %sub3A_124 : i32
          %mul3A_126 = arith.constant 8 : i32
          %mul3A_127 = arith.muli %sub3A_125, %mul3A_126 : i32
          %add3A_128 = arith.addi %mul3A_2, %mul3A_127 : i32
          %dma_wait3A_129 = arith.constant 0 : i32
          %dma_wait3A_130 = tpu.memref_slice %arg4[%add3A_128, %dma_wait3A_129] : memref<16384x2560xf32, #tpu.memory_space<hbm>> -> memref<8x2560xf32, #tpu.memory_space<hbm>>
          %dma_wait3A_131 = arith.constant 0 : i32
          %dma_wait3A_132 = tpu.memref_slice %arg4[%add3A_128, %dma_wait3A_131] : memref<16384x2560xf32, #tpu.memory_space<hbm>> -> memref<8x2560xf32, #tpu.memory_space<hbm>>
          tpu.wait_dma2 semaphore(%arg22 : memref<!tpu.dma_semaphore, #tpu.memory_space<semaphore_mem>>) src(%arg10 : memref<8x2560xf32, #tpu.memory_space<vmem>>) dst(%dma_wait3A_132 : memref<8x2560xf32, #tpu.memory_space<hbm>>)
        } else {
        }
        %add3A_102 = arith.constant 6 : i32
        %add3A_103 = arith.addi %scan3A_55, %add3A_102 : i32
        %sub3A_104 = arith.constant 1 : i32
        %sub3A_105 = arith.subi %add3A_103, %sub3A_104 : i32
        %lt3A_106 = arith.constant 64 : i32
        %lt3A_107 = arith.cmpi slt, %sub3A_105, %lt3A_106 : i32
        %convert_element_type3A_108 = arith.extui %lt3A_107 : i1 to i32
        %cond3A_109 = arith.constant 0 : i32
        %cond3A_110 = arith.cmpi ne, %convert_element_type3A_108, %cond3A_109 : i32
        scf.if %cond3A_110 {
          %add3A_124 = arith.constant 6 : i32
          %add3A_125 = arith.addi %scan3A_55, %add3A_124 : i32
          %sub3A_126 = arith.constant 1 : i32
          %sub3A_127 = arith.subi %add3A_125, %sub3A_126 : i32
          %mul3A_128 = arith.constant 8 : i32
          %mul3A_129 = arith.muli %sub3A_127, %mul3A_128 : i32
          %dma_start3A_130 = tpu.memref_slice %arg5[%mul3A_129] : memref<512xi32, #tpu.memory_space<vmem>> -> memref<8xi32, #tpu.memory_space<vmem>>
          %dma_start3A_131 = arith.constant 0 : i32
          %dma_start3A_132 = arith.constant 0 : i32
          %dma_start3A_133 = tpu.memref_slice %arg3[%dma_start3A_131, %dma_start3A_132] : memref<51200x2560xf32, #tpu.memory_space<hbm>> -> memref<51200x2560xf32, #tpu.memory_space<hbm>>
          tpu.enqueue_indirect_dma source(%dma_start3A_133 : memref<51200x2560xf32, #tpu.memory_space<hbm>>) target(%arg10 : memref<8x2560xf32, #tpu.memory_space<vmem>>) offsets(%dma_start3A_130 : memref<8xi32, #tpu.memory_space<vmem>>) semaphore(%arg16 : memref<!tpu.dma_semaphore, #tpu.memory_space<semaphore_mem>>)
        } else {
        }
        %mul3A_111 = arith.constant 8 : i32
        %mul3A_112 = arith.muli %scan3A_55, %mul3A_111 : i32
        %dma_wait3A_113 = tpu.memref_slice %arg5[%mul3A_112] : memref<512xi32, #tpu.memory_space<vmem>> -> memref<8xi32, #tpu.memory_space<vmem>>
        %dma_wait3A_114 = arith.constant 0 : i32
        %dma_wait3A_115 = arith.constant 0 : i32
        %dma_wait3A_116 = tpu.memref_slice %arg3[%dma_wait3A_114, %dma_wait3A_115] : memref<51200x2560xf32, #tpu.memory_space<hbm>> -> memref<51200x2560xf32, #tpu.memory_space<hbm>>
        tpu.wait_indirect_dma semaphore(%arg17 : memref<!tpu.dma_semaphore, #tpu.memory_space<semaphore_mem>>) src(%dma_wait3A_116 : memref<51200x2560xf32, #tpu.memory_space<hbm>>) dst(%arg11 : memref<8x2560xf32, #tpu.memory_space<vmem>>)
        %mul3A_117 = arith.constant 8 : i32
        %mul3A_118 = arith.muli %scan3A_55, %mul3A_117 : i32
        %add3A_119 = arith.addi %mul3A_2, %mul3A_118 : i32
        %dma_start3A_120 = arith.constant 0 : i32
        %dma_start3A_121 = tpu.memref_slice %arg4[%add3A_119, %dma_start3A_120] : memref<16384x2560xf32, #tpu.memory_space<hbm>> -> memref<8x2560xf32, #tpu.memory_space<hbm>>
        %dma_start3A_122 = arith.constant 0 : i32
        %dma_start3A_123 = tpu.memref_slice %arg4[%add3A_119, %dma_start3A_122] : memref<16384x2560xf32, #tpu.memory_space<hbm>> -> memref<8x2560xf32, #tpu.memory_space<hbm>>
        tpu.enqueue_dma source(%arg11 : memref<8x2560xf32, #tpu.memory_space<vmem>>) target(%dma_start3A_123 : memref<8x2560xf32, #tpu.memory_space<hbm>>) target_semaphore(%arg23 : memref<!tpu.dma_semaphore, #tpu.memory_space<semaphore_mem>>)
      } else {
      }
    }
    %scan3A_31 = arith.constant 64 : i32
    %dma_wait3A = arith.constant 0 : i32
    %dma_wait3A_32 = tpu.memref_slice %arg4[%mul3A_2, %dma_wait3A] : memref<16384x2560xf32, #tpu.memory_space<hbm>> -> memref<8x2560xf32, #tpu.memory_space<hbm>>
    %dma_wait3A_33 = arith.constant 0 : i32
    %dma_wait3A_34 = tpu.memref_slice %arg4[%mul3A_2, %dma_wait3A_33] : memref<16384x2560xf32, #tpu.memory_space<hbm>> -> memref<8x2560xf32, #tpu.memory_space<hbm>>
    tpu.wait_dma2 semaphore(%arg18 : memref<!tpu.dma_semaphore, #tpu.memory_space<semaphore_mem>>) src(%arg6 : memref<8x2560xf32, #tpu.memory_space<vmem>>) dst(%dma_wait3A_34 : memref<8x2560xf32, #tpu.memory_space<hbm>>)
    %dma_wait3A_35 = arith.constant 0 : i32
    %dma_wait3A_36 = tpu.memref_slice %arg4[%mul3A_2, %dma_wait3A_35] : memref<16384x2560xf32, #tpu.memory_space<hbm>> -> memref<8x2560xf32, #tpu.memory_space<hbm>>
    %dma_wait3A_37 = arith.constant 0 : i32
    %dma_wait3A_38 = tpu.memref_slice %arg4[%mul3A_2, %dma_wait3A_37] : memref<16384x2560xf32, #tpu.memory_space<hbm>> -> memref<8x2560xf32, #tpu.memory_space<hbm>>
    tpu.wait_dma2 semaphore(%arg19 : memref<!tpu.dma_semaphore, #tpu.memory_space<semaphore_mem>>) src(%arg7 : memref<8x2560xf32, #tpu.memory_space<vmem>>) dst(%dma_wait3A_38 : memref<8x2560xf32, #tpu.memory_space<hbm>>)
    %dma_wait3A_39 = arith.constant 0 : i32
    %dma_wait3A_40 = tpu.memref_slice %arg4[%mul3A_2, %dma_wait3A_39] : memref<16384x2560xf32, #tpu.memory_space<hbm>> -> memref<8x2560xf32, #tpu.memory_space<hbm>>
    %dma_wait3A_41 = arith.constant 0 : i32
    %dma_wait3A_42 = tpu.memref_slice %arg4[%mul3A_2, %dma_wait3A_41] : memref<16384x2560xf32, #tpu.memory_space<hbm>> -> memref<8x2560xf32, #tpu.memory_space<hbm>>
    tpu.wait_dma2 semaphore(%arg20 : memref<!tpu.dma_semaphore, #tpu.memory_space<semaphore_mem>>) src(%arg8 : memref<8x2560xf32, #tpu.memory_space<vmem>>) dst(%dma_wait3A_42 : memref<8x2560xf32, #tpu.memory_space<hbm>>)
    %dma_wait3A_43 = arith.constant 0 : i32
    %dma_wait3A_44 = tpu.memref_slice %arg4[%mul3A_2, %dma_wait3A_43] : memref<16384x2560xf32, #tpu.memory_space<hbm>> -> memref<8x2560xf32, #tpu.memory_space<hbm>>
    %dma_wait3A_45 = arith.constant 0 : i32
    %dma_wait3A_46 = tpu.memref_slice %arg4[%mul3A_2, %dma_wait3A_45] : memref<16384x2560xf32, #tpu.memory_space<hbm>> -> memref<8x2560xf32, #tpu.memory_space<hbm>>
    tpu.wait_dma2 semaphore(%arg21 : memref<!tpu.dma_semaphore, #tpu.memory_space<semaphore_mem>>) src(%arg9 : memref<8x2560xf32, #tpu.memory_space<vmem>>) dst(%dma_wait3A_46 : memref<8x2560xf32, #tpu.memory_space<hbm>>)
    %dma_wait3A_47 = arith.constant 0 : i32
    %dma_wait3A_48 = tpu.memref_slice %arg4[%mul3A_2, %dma_wait3A_47] : memref<16384x2560xf32, #tpu.memory_space<hbm>> -> memref<8x2560xf32, #tpu.memory_space<hbm>>
    %dma_wait3A_49 = arith.constant 0 : i32
    %dma_wait3A_50 = tpu.memref_slice %arg4[%mul3A_2, %dma_wait3A_49] : memref<16384x2560xf32, #tpu.memory_space<hbm>> -> memref<8x2560xf32, #tpu.memory_space<hbm>>
    tpu.wait_dma2 semaphore(%arg22 : memref<!tpu.dma_semaphore, #tpu.memory_space<semaphore_mem>>) src(%arg10 : memref<8x2560xf32, #tpu.memory_space<vmem>>) dst(%dma_wait3A_50 : memref<8x2560xf32, #tpu.memory_space<hbm>>)
    %dma_wait3A_51 = arith.constant 0 : i32
    %dma_wait3A_52 = tpu.memref_slice %arg4[%mul3A_2, %dma_wait3A_51] : memref<16384x2560xf32, #tpu.memory_space<hbm>> -> memref<8x2560xf32, #tpu.memory_space<hbm>>
    %dma_wait3A_53 = arith.constant 0 : i32
    %dma_wait3A_54 = tpu.memref_slice %arg4[%mul3A_2, %dma_wait3A_53] : memref<16384x2560xf32, #tpu.memory_space<hbm>> -> memref<8x2560xf32, #tpu.memory_space<hbm>>
    tpu.wait_dma2 semaphore(%arg23 : memref<!tpu.dma_semaphore, #tpu.memory_space<semaphore_mem>>) src(%arg11 : memref<8x2560xf32, #tpu.memory_space<vmem>>) dst(%dma_wait3A_54 : memref<8x2560xf32, #tpu.memory_space<hbm>>)
    return
  }
}

</mosaic_0001>

<sc_bundles>
// kernel: kernel.3.cloned.1.call-start
scs
__scs_entry_jumppad:
0x0: {  	(pc) =	sbr.rel $0x88, $3  }
0x1: {  	(tag) =	ssettag $0x0;
	lr =	simm.s32 $0x1  }
0x2: {  	[smem:$0x3F9F] =	sst lr;
	_ =	strace $0xD0000000  }
0x3: {  	_ = 	snop  }
0x4: {  	_ = 	snop  }
0x5: {  	_ = 	snop  }
0x6: {  	_ = 	snop  }
0x7: {  	_ = 	snop  }
__scs_overlays_trampoline_lowered:
0x8: {  	[smem:$0x3FAE] =	sst s0  }
0x9: {  	[smem:$0x3FAF] =	sst s1  }
0xa: {  	[smem:$0x3FB0] =	sst s2  }
0xb: {  	[smem:$0x3FB1] =	sst s3  }
0xc: {  	[smem:$0x3FB2] =	sst s4  }
0xd: {  	[smem:$0x3FB3] =	sst s5  }
0xe: {  	[smem:$0x3FB4] =	sst s6  }
0xf: {  	[smem:$0x3FB5] =	sst s7  }
0x10: {  	[smem:$0x3FB6] =	sst s8  }
0x11: {  	[smem:$0x3FB7] =	sst s9;
	s0 =	simm.s32 @!p0 $0x0  }
0x12: {  	s1 =	sld [smem:$0x3F9D];
	s0 =	simm.s32 @p0 $0x1  }
0x13: {  	[smem:$0x3FB8] =	sst s0;
	s0 =	simm.s32 @!p1 $0x0  }
0x14: {  	s2 =	sld [smem:$0x3F9C];
	s0 =	simm.s32 @p1 $0x1  }
0x15: {  	[smem:$0x3FB9] =	sst s0;
	s0 =	simm.s32 @!p2 $0x0  }
0x16: {  	s3 =	sld [smem:$0x3FDB];
	s0 =	simm.s32 @p2 $0x1  }
0x17: {  	s4 =	simm.s32 $0x1BF5;
	[smem:$0x3FBB] =	sst s0  }
0x18: {  	s0 =	sld [smem:$0x3F9E];
	_ =	swait.ge [sflag:s4], $0x0  }
0x19: {  	s7 =	sld [smem:$0x3F9F]  }
0x1a: {  	s8 =	sadd.s32 $0xFFFFE003, lr  }
0x1b: {  	s9 =	sadd.s32 $0xFFFFFEF7, lr;
	s5 =	simm.s32 $0xFFFFFFFF;
	p2 =	slt.u32 s8, $0xFFFFF086  }
0x1c: {  	p1 =	slt.u32 s9, $0xF7A;
	s5 =	simm.s32 @!p2 $0x0  }
0x1d: {  	s5 =	simm.s32 @p1 $0x1;
	p0 =	seq.s32 s7, s2  }
0x1e: {  	s7 =	smul.u32 @!p0 $0xF7A, s2;
	p2 =	seq.s32 @!p0 s5, $0x0  }
0x1f: {  	s9 =	smul.u32 $0xF7A, s1;
	s8 =	simm.s32 @!p0 $0x1BF5;
	p2 =	por !p2, p0  }
0x20: {  	[sflag:s8] =	ssyncset.s32 @!p0 $0xFFFFF086;
	s6 =	sadd.s32 @!p0 s3, s7;
	s7 =	simm.s32 @!p0 $0x108  }
0x21: {  	s3 =	sadd.s32 s3, s9;
	s6 =	sadd.s32 @!p0 $0x88, s6;
	s7 =	simm.s32 @p2 $0x1082  }
0x22: {  	[simem:s7], [sflag:s8] =	dma.local @!p0 [hbm:s6], $0xF7A  }
0x23: {  	s9 =	sor.u32 $0xD0000000, s2;
	s6 =	simm.s32 $0x108;
	_ =	swait.ge @!p0 [sflag:s8], $0x0  }
0x24: {  	s3 =	sadd.s32 $0x88, s3;
	s6 =	simm.s32 @!p1 $0x1082;
	[sflag:s4] =	ssyncset.s32 $0xFFFFF086  }
0x25: {  	[simem:s6], [sflag:s4] =	dma.local [hbm:s3], $0xF7A  }
0x26: {  	[smem:$0x3F9F] =	sst s1;
	(tag) =	ssettag s2;
	_ =	strace s9  }
0x27: {  	s1 =	sld [smem:$0x3FAF]  }
0x28: {  	s2 =	sld [smem:$0x3FB0]  }
0x29: {  	s4 =	sld [smem:$0x3FB2]  }
0x2a: {  	p0 =	seq.s32 s5, $0x0;
	s5 =	sld [smem:$0x3FB3]  }
0x2b: {  	s6 =	sld [smem:$0x3FB4]  }
0x2c: {  	s7 =	sld [smem:$0x3FB5]  }
0x2d: {  	s3 =	simm.s32 $0x108;
	s8 =	sld [smem:$0x3FB6]  }
0x2e: {  	s3 =	simm.s32 @!p0 $0x1082;
	s9 =	sld [smem:$0x3FB7]  }
0x2f: {  	lr =	sadd.s32 s0, s3;
	s0 =	sld [smem:$0x3FAE]  }
0x30: {  	s3 =	sld [smem:$0x3FB1]  }
0x31: {  	[smem:$0x3FBA] =	sst s10  }
0x32: {  	s10 =	sld [smem:$0x3FB8];
	_ =	sdelay $0x3  }
0x33: {  	p0 =	seq.s32 s10, $0x1;
	s10 =	sld [smem:$0x3FBA];
	_ =	sdelay $0x3  }
0x34: {  	[smem:$0x3FBA] =	sst s10  }
0x35: {  	s10 =	sld [smem:$0x3FB9];
	_ =	sdelay $0x3  }
0x36: {  	p1 =	seq.s32 s10, $0x1;
	s10 =	sld [smem:$0x3FBA];
	_ =	sdelay $0x3  }
0x37: {  	[smem:$0x3FBA] =	sst s10  }
0x38: {  	s10 =	sld [smem:$0x3FBB]  }
0x39: {  	_ = 	snop;
	(pc) =	sbr.ind lr, $3  }
0x3a: {  	_ = 	snop  }
0x3b: {  	_ = 	snop  }
0x3c: {  	p2 =	seq.s32 s10, $0x1;
	s10 =	sld [smem:$0x3FBA]  }
0x3d: {  	_ =	shalt  }
0x3e: {  	_ =	shalt  }
0x3f: {  	_ =	shalt  }
0x40: {  	_ =	shalt  }
0x41: {  	_ =	shalt  }
0x42: {  	_ =	shalt  }
0x43: {  	_ =	shalt  }
0x44: {  	_ =	shalt  }
0x45: {  	_ =	shalt  }
0x46: {  	_ =	shalt  }
0x47: {  	_ =	shalt  }
0x48: {  	_ =	shalt  }
0x49: {  	_ =	shalt  }
0x4a: {  	_ =	shalt  }
0x4b: {  	_ =	shalt  }
0x4c: {  	_ =	shalt  }
0x4d: {  	_ =	shalt  }
0x4e: {  	_ =	shalt  }
0x4f: {  	_ =	shalt  }
0x50: {  	_ =	shalt  }
0x51: {  	_ =	shalt  }
0x52: {  	_ =	shalt  }
0x53: {  	_ =	shalt  }
0x54: {  	_ =	shalt  }
0x55: {  	_ =	shalt  }
0x56: {  	_ =	shalt  }
0x57: {  	_ =	shalt  }
0x58: {  	_ =	shalt  }
0x59: {  	_ =	shalt  }
0x5a: {  	_ =	shalt  }
0x5b: {  	_ =	shalt  }
0x5c: {  	_ =	shalt  }
0x5d: {  	_ =	shalt  }
0x5e: {  	_ =	shalt  }
0x5f: {  	_ =	shalt  }
0x60: {  	_ =	shalt  }
0x61: {  	_ =	shalt  }
0x62: {  	_ =	shalt  }
0x63: {  	_ =	shalt  }
0x64: {  	_ =	shalt  }
0x65: {  	_ =	shalt  }
0x66: {  	_ =	shalt  }
0x67: {  	_ =	shalt  }
0x68: {  	_ =	shalt  }
0x69: {  	_ =	shalt  }
0x6a: {  	_ =	shalt  }
0x6b: {  	_ =	shalt  }
0x6c: {  	_ =	shalt  }
0x6d: {  	_ =	shalt  }
0x6e: {  	_ =	shalt  }
0x6f: {  	_ =	shalt  }
0x70: {  	_ =	shalt  }
0x71: {  	_ =	shalt  }
0x72: {  	_ =	shalt  }
0x73: {  	_ =	shalt  }
0x74: {  	_ =	shalt  }
0x75: {  	_ =	shalt  }
0x76: {  	_ =	shalt  }
0x77: {  	_ =	shalt  }
0x78: {  	_ =	shalt  }
0x79: {  	_ =	shalt  }
0x7a: {  	_ =	shalt  }
0x7b: {  	_ =	shalt  }
0x7c: {  	_ =	shalt  }
0x7d: {  	_ =	shalt  }
0x7e: {  	_ =	shalt  }
0x7f: {  	_ =	shalt  }
0x80: {  	_ =	shalt  }
0x81: {  	_ =	shalt  }
0x82: {  	_ =	shalt  }
0x83: {  	_ =	shalt  }
0x84: {  	_ =	shalt  }
0x85: {  	_ =	shalt  }
0x86: {  	_ =	shalt  }
0x87: {  	_ =	shalt  }
.Lfunc_end0:
.L_simem_size_0:
called_computation_lowered:
.L_overlay_start_0:
0x88: {  	s2 =	sld [smem:$0x3FD9]  }
0x89: {  	s3 =	sld [smem:$0x3FFE];
	_ =	sdelay $0x1  }
0x8a: {  	s1 =	srdreg.scid  }
0x8b: {  	s0 =	sand.u32 $0x1, s1  }
0x8c: {  	s17 =	sshll.u32 s0, $0xA;
	s2 =	sadd.s32 s3, s2  }
0x8d: {  	s2 =	sadd.s32 s2, s17  }
0x8e: {  	[smem:$0x3FC6] =	sst s2  }
0x8f: {  	_ = 	snop  }
0x90: {  	s2 =	sld [smem:$0x3FC8]  }
0x91: {  	s18 =	sld [smem:$0x3FD0];
	(tm) =	ssettm $0x1  }
0x92: {  	s4 =	sld [smem:$0x3FFB];
	_ =	sdelay $0x3  }
0x93: {  	_ =	strace s4  }
0x94: {  	s4 =	sld [smem:$0x3FFC];
	_ =	sdelay $0x3  }
0x95: {  	_ =	strace s4  }
0x96: {  	s4 =	sld [smem:$0x3FFD];
	_ =	sdelay $0x3  }
0x97: {  	_ =	strace s4  }
0x98: {  	_ =	strace $0x8FFFFFFF  }
0x99: {  	s19 =	sld [smem:$0x3FDB];
	_ =	sdelay $0x1  }
0x9a: {  	s5 =	simm.s32 $_scs_section_size  }
0x9b: {  	s6 =	simm.s32 $_size__tile_overlayer_lowered;
	s7 =	simm.s32 $_tile_overlayer_lowered  }
0x9c: {  	s22 =	simm.s32 $0x1BFF;
	s21 =	sshll.u32 s7, $0x1;
	s4 =	sadd.s32 s5, s19  }
0x9d: {  	s8 =	simm.s32 $0x0;
	s20 =	sshll.u32 s6, $0x1;
	s6 =	sadd.s32 s21, s4  }
0x9e: {  	[timem:s8], [sflag:s22] =	dma.local [hbm:s6], s20  }
0x9f: {  	_ =	swait.ge [sflag:s22], s20  }
0xa0: {  	s5 =	ssub.s32 $0x0, s20;
	[sflag:s22] =	ssyncset.done $0x0  }
0xa1: {  	[sflag:s22] =	ssyncadd.s32 s5;
	_ =	sdelay $0x1  }
0xa2: {  	s23 =	simm.s32 $0x1B8B  }
0xa3: {  	_ =	swait.ge [sflag:s23], $0x1  }
0xa4: {  	[sflag:s23] =	ssyncset.done $0x0  }
0xa5: {  	s25 =	simm.s32 $0x1B8E;
	s24 =	sld [smem:$0x3FFE];
	[sflag:s23] =	ssyncadd.s32 $0xFFFFFFFF  }
0xa6: {  	s26 =	simm.s32 $execute0_lowered;
	[smem:$0x3FD2] =	sst s25  }
0xa7: {  	s6 =	sshll.u32 s26, $0x1;
	_ =	strace $0x80000046;
	[dreg:$0x1] =	wrdreg $0xFFFFFFFF  }
0xa8: {  	s28 =	simm.s32 $_size_execute0_lowered;
	s4 =	sadd.s32 s4, s6;
	[dreg:$0x0] =	wrdreg $0x0  }
0xa9: {  	s6 =	sshll.u32 s28, $0x1;
	[dreg:$0x2] =	wrdreg s4  }
0xaa: {  	[dreg:$0x3] =	wrdreg s6  }
0xab: {  	[dreg:$0x4] =	wrdreg $0xC0  }
0xac: {  	_ =	task [dreg:s8], $0x5FFFF  }
0xad: {  	[dreg:$0x1] =	wrdreg $0xFFFFFFFF  }
0xae: {  	[dreg:$0x0] =	wrdreg $0x60  }
0xaf: {  	[dreg:$0x2] =	wrdreg s24  }
0xb0: {  	[dreg:$0x3] =	wrdreg s2  }
0xb1: {  	[dreg:$0x4] =	wrdreg s18  }
0xb2: {  	[dreg:$0x5] =	wrdreg $0x9  }
0xb3: {  	_ =	task.clear_ibuf [dreg:s8], $0x6FFFF;
	_ =	strace $0x90000046  }
0xb4: {  	s29 =	simm.s32 $0x9;
	_ =	strace $0x80000048  }
0xb5: {  	_ =	swait.ge [sflag:s29], $0x1  }
0xb6: {  	[sflag:s29] =	ssyncadd.s32 $0xFFFFFFFF  }
0xb7: {  	_ =	strace $0x90000048  }
0xb8: {  	_ =	sfence  }
0xb9: {  	s30 =	sld [smem:$0x0];
	_ =	sdelay $0x2  }
0xba: {  	s31 =	sshll.u32 s1, $0xD;
	s1 =	sshrl.u32 s1, $0x2  }
0xbb: {  	s3 =	sand.u32 $0x4000, s31;
	s1 =	sadd.s32 s1, s30  }
0xbc: {  	s0 =	sor.u32 s3, s0;
	s1 =	sshll.u32 s1, $0x11  }
0xbd: {  	s0 =	sor.u32 s1, s0  }
0xbe: {  	s0 =	sadd.s32 $0x8F2B, s0  }
0xbf: {  	[sflag:s0] =	ssyncadd.remote.s32 $0x1  }
0xc0: {  	_ =	sfence.sel $0xFFFF  }
0xc1: {  	[dreg:$0x0] =	wrdreg $0xFFFFFFFF;
	(pc) =	sbr.abs _section_cstart, $3  }
0xc2: {  	[dreg:$0x1] =	wrdreg $0xFFFFFFFF  }
0xc3: {  	_ =	task.clear_ibuf [dreg:s8], $0x2FFFF;
	_ =	strace $0x9FFFFFFF  }
0xc4: {  	(tm) =	ssettm $0x7FFFFFFF  }
0xc5: {  	_ =	shalt  }
tec
execute0_lowered:
.L_overlay_start_1:
0x0: {  	(tag) =	ssettag $0x1  }
0x1: {  	s0 =	rddreg [dreg:$0x0]  }
0x2: {  	s2 =	rddreg [dreg:$0x1]  }
0x3: {  	s1 =	srdreg.scid;
	s4 =	rddreg [dreg:$0x2]  }
0x4: {  	s10 =	stileid.u32;
	s3 =	simm.s32 $0x0;
	s17 =	simm.s32 $0x200  }
0x5: {  	s28 =	simm.s32 $0x1AA00;
	s29 =	simm.s32 $0x1B200;
	s30 =	simm.s32 $0x1BA00  }
0x6: {  	s31 =	simm.s32 $0x1C200;
	s18 =	simm.s32 $0x1D200;
	s19 =	simm.s32 $0x1DA00  }
0x7: {  	s20 =	simm.s32 $0x1;
	s16 =	simm.s32 $0x4;
	s21 =	simm.s32 $0x0  }
0x8: {  	s1 =	sand.u32 $0x1, s1;
	s5 =	sshll.u32 s10, $0x7;
	[smem:$0x7FF] =	sst s3  }
0x9: {  	s7 =	sadd.s32 $0x300, s2;
	s8 =	sadd.s32 $0x400, s2;
	s9 =	sadd.s32 $0x500, s2  }
0xa: {  	s25 =	smul.u32 $0x50000, s10;
	s10 =	sadd.s32 $0x600, s2;
	s11 =	sadd.s32 $0x700, s2  }
0xb: {  	s12 =	sadd.s32 $0x800, s2;
	s13 =	sadd.s32 $0x900, s2;
	s6 =	sshll.u32 s1, $0x6  }
0xc: {  	s23 =	ssub.s32 $0x2, s1;
	_ =	strace $0x80000047;
	s1 =	smul.u32 $0x28000, s1  }
0xd: {  	s5 =	sor.u32 s6, s5;
	s24 =	sshrl.u32 s23, $0x1;
	s6 =	sadd.s32 $0x200, s2  }
.Ltmp0:
0xe: {  	s0 =	sadd.s32 s5, s0;
	s14 =	ssub.s32 s23, s24;
	(pc) =	sbr.rel .LBB2_1-.Ltmp0, $4  }
0xf: {  	s5 =	sadd.s32 $0x100, s2;
	s23 =	simm.s32 $0xC;
	s0 =	sadd.s32 $0x400, s0  }
0x10: {  	v0 =	vlaneseq.u32;
	s26 =	smax.u32 s14, $0x1;
	[dreg:$0x4] =	wrdreg s0;
	s0 =	sadd.s32 s25, s4  }
0x11: {  	v1 =	vshrl.u32 v0, $0x3;
	[dreg:$0x5] =	wrdreg s26;
	s26 =	simm.s32 $0x1A200;
	s0 =	sadd.s32 s1, s0  }
0x12: {  	vm0 =	vmmov $0xffff;
	v0 =	vand.u32 $0x7, v0;
	v1 =	vmul.u32 $0x8, v1;
	s1 =	simm.s32 $0xF200;
	[dreg:$0x6] =	wrdreg s0;
	s0 =	simm.s32 $0x1CA00  }
.LBB2_14:
0x13: {  	s4 =	simm.s32 $0x7  }
0x14: {  	_ =	swait.ge [sflag:s4], $0x5000  }
0x15: {  	[sflag:s4] =	ssyncset.done $0x0  }
0x16: {  	s14 =	simm.s32 $0x8;
	[sflag:s4] =	ssyncadd.s32 $0xFFFFB000  }
0x17: {  	_ =	swait.ge [sflag:s14], $0x5000  }
0x18: {  	[sflag:s14] =	ssyncset.done $0x0  }
0x19: {  	s15 =	simm.s32 $0x9;
	[sflag:s14] =	ssyncadd.s32 $0xFFFFB000  }
0x1a: {  	_ =	swait.ge [sflag:s15], $0x5000  }
0x1b: {  	[sflag:s15] =	ssyncset.done $0x0  }
0x1c: {  	s22 =	simm.s32 $0xA;
	[sflag:s15] =	ssyncadd.s32 $0xFFFFB000  }
0x1d: {  	_ =	swait.ge [sflag:s22], $0x5000  }
0x1e: {  	[sflag:s22] =	ssyncset.done $0x0  }
0x1f: {  	s24 =	simm.s32 $0xB;
	[sflag:s22] =	ssyncadd.s32 $0xFFFFB000  }
0x20: {  	_ =	swait.ge [sflag:s24], $0x5000  }
0x21: {  	[sflag:s24] =	ssyncset.done $0x0  }
0x22: {  	[sflag:s24] =	ssyncadd.s32 $0xFFFFB000  }
0x23: {  	_ =	swait.ge [sflag:s23], $0x5000  }
0x24: {  	s21 =	sadd.s32 $0x1, s21;
	s25 =	rddreg [dreg:$0x5]  }
0x25: {  	p0 =	sne.s32 s21, s25  }
.Ltmp1:
0x26: {  	_ = 	snop;
	(pc) =	sbr.rel @!p0 .LBB2_15-.Ltmp1, $3  }
0x27: {  	_ =	sdelay $0x1  }
0x28: {  	[sflag:s23] =	ssyncset.done $0x0  }
0x29: {  	[sflag:s23] =	ssyncadd.s32 $0xFFFFB000  }
.LBB2_1:
0x2a: {  	s4 =	rddreg [dreg:$0x4];
	s15 =	simm.s32 $0xD  }
0x2b: {  	[tilespmem:s3], [sflag:$0xD] =	stream.linear.gather [hbm4b:s4+s3], $0x200, $0x38;
	[tilespmem:$0x1E200] =	vst v63  }
0x2c: {  	_ =	swait.ge [sflag:s15], $0x200  }
0x2d: {  	[sflag:s15] =	ssyncset.done $0x0  }
0x2e: {  	[sflag:s15] =	ssyncadd.s32 $0xFFFFFE00  }
0x2f: {  	v2 =	vld.msk [tilespmem:$0x0], $0xff;
	_ =	sdelay $0x4  }
0x30: {  	v3 =	vshrl.u32 v2, $0x3  }
0x31: {  	v3 =	vmul.u32 $0xA0, v3  }
0x32: {  	v2 =	vand.u32 $0x7, v2  }
0x33: {  	v2 =	vor.u32 v2, v3  }
0x34: {  	v2 =	vperm.xlane v2, v0;
	_ =	sdelay $0x1  }
0x35: {  	v2 =	vadd.s32 v1, v2;
	_ =	sdelay $0x4  }
0x36: {  	[tilespmem:s17], [sflag:$0x1] =	stream.indirect_vreg.gather [hbm4b:s2+s3], $0x80, v2, vm0, $0xb8;
	[tilespmem:$0x1E200] =	vst v63  }
0x37: {  	s22 =	simm.s32 $0xA00  }
0x38: {  	[tilespmem:s22], [sflag:$0x1] =	stream.indirect_vreg.gather [hbm4b:s5+s3], $0x80, v2, vm0, $0xb8;
	[tilespmem:$0x1E200] =	vst v63  }
0x39: {  	s24 =	simm.s32 $0x1200  }
0x3a: {  	[tilespmem:s24], [sflag:$0x1] =	stream.indirect_vreg.gather [hbm4b:s6+s3], $0x80, v2, vm0, $0xb8;
	[tilespmem:$0x1E200] =	vst v63  }
0x3b: {  	s25 =	simm.s32 $0x1A00  }
0x3c: {  	[tilespmem:s25], [sflag:$0x1] =	stream.indirect_vreg.gather [hbm4b:s7+s3], $0x80, v2, vm0, $0xb8;
	[tilespmem:$0x1E200] =	vst v63  }
0x3d: {  	s14 =	simm.s32 $0x2200  }
0x3e: {  	[tilespmem:s14], [sflag:$0x1] =	stream.indirect_vreg.gather [hbm4b:s8+s3], $0x80, v2, vm0, $0xb8;
	[tilespmem:$0x1E200] =	vst v63  }
0x3f: {  	s15 =	simm.s32 $0x2A00  }
0x40: {  	[tilespmem:s15], [sflag:$0x1] =	stream.indirect_vreg.gather [hbm4b:s9+s3], $0x80, v2, vm0, $0xb8;
	[tilespmem:$0x1E200] =	vst v63  }
0x41: {  	s22 =	simm.s32 $0x3200  }
0x42: {  	[tilespmem:s22], [sflag:$0x1] =	stream.indirect_vreg.gather [hbm4b:s10+s3], $0x80, v2, vm0, $0xb8;
	[tilespmem:$0x1E200] =	vst v63  }
0x43: {  	s24 =	simm.s32 $0x3A00  }
0x44: {  	[tilespmem:s24], [sflag:$0x1] =	stream.indirect_vreg.gather [hbm4b:s11+s3], $0x80, v2, vm0, $0xb8;
	[tilespmem:$0x1E200] =	vst v63  }
0x45: {  	s25 =	simm.s32 $0x4200  }
0x46: {  	[tilespmem:s25], [sflag:$0x1] =	stream.indirect_vreg.gather [hbm4b:s12+s3], $0x80, v2, vm0, $0xb8;
	[tilespmem:$0x1E200] =	vst v63  }
0x47: {  	s14 =	simm.s32 $0x4A00  }
0x48: {  	[tilespmem:s14], [sflag:$0x1] =	stream.indirect_vreg.gather [hbm4b:s13+s3], $0x80, v2, vm0, $0xb8;
	[tilespmem:$0x1E200] =	vst v63  }
0x49: {  	v2 =	vld.msk [tilespmem:$0x8], $0xff;
	_ =	sdelay $0x4  }
0x4a: {  	v3 =	vshrl.u32 v2, $0x3  }
0x4b: {  	v3 =	vmul.u32 $0xA0, v3  }
0x4c: {  	v2 =	vand.u32 $0x7, v2  }
0x4d: {  	v2 =	vor.u32 v2, v3  }
0x4e: {  	v2 =	vperm.xlane v2, v0;
	_ =	sdelay $0x1  }
0x4f: {  	v2 =	vadd.s32 v1, v2;
	_ =	sdelay $0x3  }
0x50: {  	s15 =	simm.s32 $0x5200  }
0x51: {  	[tilespmem:s15], [sflag:$0x2] =	stream.indirect_vreg.gather [hbm4b:s2+s3], $0x80, v2, vm0, $0xb8;
	[tilespmem:$0x1E200] =	vst v63  }
0x52: {  	s22 =	simm.s32 $0x5A00  }
0x53: {  	[tilespmem:s22], [sflag:$0x2] =	stream.indirect_vreg.gather [hbm4b:s5+s3], $0x80, v2, vm0, $0xb8;
	[tilespmem:$0x1E200] =	vst v63  }
0x54: {  	s24 =	simm.s32 $0x6200  }
0x55: {  	[tilespmem:s24], [sflag:$0x2] =	stream.indirect_vreg.gather [hbm4b:s6+s3], $0x80, v2, vm0, $0xb8;
	[tilespmem:$0x1E200] =	vst v63  }
0x56: {  	s25 =	simm.s32 $0x6A00  }
0x57: {  	[tilespmem:s25], [sflag:$0x2] =	stream.indirect_vreg.gather [hbm4b:s7+s3], $0x80, v2, vm0, $0xb8;
	[tilespmem:$0x1E200] =	vst v63  }
0x58: {  	s14 =	simm.s32 $0x7200  }
0x59: {  	[tilespmem:s14], [sflag:$0x2] =	stream.indirect_vreg.gather [hbm4b:s8+s3], $0x80, v2, vm0, $0xb8;
	[tilespmem:$0x1E200] =	vst v63  }
0x5a: {  	s15 =	simm.s32 $0x7A00  }
0x5b: {  	[tilespmem:s15], [sflag:$0x2] =	stream.indirect_vreg.gather [hbm4b:s9+s3], $0x80, v2, vm0, $0xb8;
	[tilespmem:$0x1E200] =	vst v63  }
0x5c: {  	s22 =	simm.s32 $0x8200  }
0x5d: {  	[tilespmem:s22], [sflag:$0x2] =	stream.indirect_vreg.gather [hbm4b:s10+s3], $0x80, v2, vm0, $0xb8;
	[tilespmem:$0x1E200] =	vst v63  }
0x5e: {  	s24 =	simm.s32 $0x8A00  }
0x5f: {  	[tilespmem:s24], [sflag:$0x2] =	stream.indirect_vreg.gather [hbm4b:s11+s3], $0x80, v2, vm0, $0xb8;
	[tilespmem:$0x1E200] =	vst v63  }
0x60: {  	s25 =	simm.s32 $0x9200  }
0x61: {  	[tilespmem:s25], [sflag:$0x2] =	stream.indirect_vreg.gather [hbm4b:s12+s3], $0x80, v2, vm0, $0xb8;
	[tilespmem:$0x1E200] =	vst v63  }
0x62: {  	s14 =	simm.s32 $0x9A00  }
0x63: {  	[tilespmem:s14], [sflag:$0x2] =	stream.indirect_vreg.gather [hbm4b:s13+s3], $0x80, v2, vm0, $0xb8;
	[tilespmem:$0x1E200] =	vst v63  }
0x64: {  	v2 =	vld.msk [tilespmem:$0x10], $0xff;
	_ =	sdelay $0x4  }
0x65: {  	v3 =	vshrl.u32 v2, $0x3  }
0x66: {  	v3 =	vmul.u32 $0xA0, v3  }
0x67: {  	v2 =	vand.u32 $0x7, v2  }
0x68: {  	v2 =	vor.u32 v2, v3  }
0x69: {  	v2 =	vperm.xlane v2, v0;
	_ =	sdelay $0x1  }
0x6a: {  	v2 =	vadd.s32 v1, v2;
	_ =	sdelay $0x3  }
0x6b: {  	s15 =	simm.s32 $0xA200  }
0x6c: {  	[tilespmem:s15], [sflag:$0x3] =	stream.indirect_vreg.gather [hbm4b:s2+s3], $0x80, v2, vm0, $0xb8;
	[tilespmem:$0x1E200] =	vst v63  }
0x6d: {  	s22 =	simm.s32 $0xAA00  }
0x6e: {  	[tilespmem:s22], [sflag:$0x3] =	stream.indirect_vreg.gather [hbm4b:s5+s3], $0x80, v2, vm0, $0xb8;
	[tilespmem:$0x1E200] =	vst v63  }
0x6f: {  	s24 =	simm.s32 $0xB200  }
0x70: {  	[tilespmem:s24], [sflag:$0x3] =	stream.indirect_vreg.gather [hbm4b:s6+s3], $0x80, v2, vm0, $0xb8;
	[tilespmem:$0x1E200] =	vst v63  }
0x71: {  	s25 =	simm.s32 $0xBA00  }
0x72: {  	[tilespmem:s25], [sflag:$0x3] =	stream.indirect_vreg.gather [hbm4b:s7+s3], $0x80, v2, vm0, $0xb8;
	[tilespmem:$0x1E200] =	vst v63  }
0x73: {  	s14 =	simm.s32 $0xC200  }
0x74: {  	[tilespmem:s14], [sflag:$0x3] =	stream.indirect_vreg.gather [hbm4b:s8+s3], $0x80, v2, vm0, $0xb8;
	[tilespmem:$0x1E200] =	vst v63  }
0x75: {  	s15 =	simm.s32 $0xCA00  }
0x76: {  	[tilespmem:s15], [sflag:$0x3] =	stream.indirect_vreg.gather [hbm4b:s9+s3], $0x80, v2, vm0, $0xb8;
	[tilespmem:$0x1E200] =	vst v63  }
0x77: {  	s22 =	simm.s32 $0xD200  }
0x78: {  	[tilespmem:s22], [sflag:$0x3] =	stream.indirect_vreg.gather [hbm4b:s10+s3], $0x80, v2, vm0, $0xb8;
	[tilespmem:$0x1E200] =	vst v63  }
0x79: {  	s24 =	simm.s32 $0xDA00  }
0x7a: {  	[tilespmem:s24], [sflag:$0x3] =	stream.indirect_vreg.gather [hbm4b:s11+s3], $0x80, v2, vm0, $0xb8;
	[tilespmem:$0x1E200] =	vst v63  }
0x7b: {  	s25 =	simm.s32 $0xE200  }
0x7c: {  	[tilespmem:s25], [sflag:$0x3] =	stream.indirect_vreg.gather [hbm4b:s12+s3], $0x80, v2, vm0, $0xb8;
	[tilespmem:$0x1E200] =	vst v63  }
0x7d: {  	s14 =	simm.s32 $0xEA00  }
0x7e: {  	[tilespmem:s14], [sflag:$0x3] =	stream.indirect_vreg.gather [hbm4b:s13+s3], $0x80, v2, vm0, $0xb8;
	[tilespmem:$0x1E200] =	vst v63  }
0x7f: {  	v2 =	vld.msk [tilespmem:$0x18], $0xff;
	_ =	sdelay $0x4  }
0x80: {  	v3 =	vshrl.u32 v2, $0x3  }
0x81: {  	v3 =	vmul.u32 $0xA0, v3  }
0x82: {  	v2 =	vand.u32 $0x7, v2  }
0x83: {  	v2 =	vor.u32 v2, v3  }
0x84: {  	v2 =	vperm.xlane v2, v0;
	_ =	sdelay $0x1  }
0x85: {  	v2 =	vadd.s32 v1, v2;
	_ =	sdelay $0x4  }
0x86: {  	[tilespmem:s1], [sflag:$0x4] =	stream.indirect_vreg.gather [hbm4b:s2+s3], $0x80, v2, vm0, $0xb8;
	[tilespmem:$0x1E200] =	vst v63  }
0x87: {  	s15 =	simm.s32 $0xFA00  }
0x88: {  	[tilespmem:s15], [sflag:$0x4] =	stream.indirect_vreg.gather [hbm4b:s5+s3], $0x80, v2, vm0, $0xb8;
	[tilespmem:$0x1E200] =	vst v63  }
0x89: {  	s22 =	simm.s32 $0x10200  }
0x8a: {  	[tilespmem:s22], [sflag:$0x4] =	stream.indirect_vreg.gather [hbm4b:s6+s3], $0x80, v2, vm0, $0xb8;
	[tilespmem:$0x1E200] =	vst v63  }
0x8b: {  	s24 =	simm.s32 $0x10A00  }
0x8c: {  	[tilespmem:s24], [sflag:$0x4] =	stream.indirect_vreg.gather [hbm4b:s7+s3], $0x80, v2, vm0, $0xb8;
	[tilespmem:$0x1E200] =	vst v63  }
0x8d: {  	s25 =	simm.s32 $0x11200  }
0x8e: {  	[tilespmem:s25], [sflag:$0x4] =	stream.indirect_vreg.gather [hbm4b:s8+s3], $0x80, v2, vm0, $0xb8;
	[tilespmem:$0x1E200] =	vst v63  }
0x8f: {  	s14 =	simm.s32 $0x11A00  }
0x90: {  	[tilespmem:s14], [sflag:$0x4] =	stream.indirect_vreg.gather [hbm4b:s9+s3], $0x80, v2, vm0, $0xb8;
	[tilespmem:$0x1E200] =	vst v63  }
0x91: {  	s15 =	simm.s32 $0x12200  }
0x92: {  	[tilespmem:s15], [sflag:$0x4] =	stream.indirect_vreg.gather [hbm4b:s10+s3], $0x80, v2, vm0, $0xb8;
	[tilespmem:$0x1E200] =	vst v63  }
0x93: {  	s22 =	simm.s32 $0x12A00  }
0x94: {  	[tilespmem:s22], [sflag:$0x4] =	stream.indirect_vreg.gather [hbm4b:s11+s3], $0x80, v2, vm0, $0xb8;
	[tilespmem:$0x1E200] =	vst v63  }
0x95: {  	s24 =	simm.s32 $0x13200  }
0x96: {  	[tilespmem:s24], [sflag:$0x4] =	stream.indirect_vreg.gather [hbm4b:s12+s3], $0x80, v2, vm0, $0xb8;
	[tilespmem:$0x1E200] =	vst v63  }
0x97: {  	s25 =	simm.s32 $0x13A00  }
0x98: {  	[tilespmem:s25], [sflag:$0x4] =	stream.indirect_vreg.gather [hbm4b:s13+s3], $0x80, v2, vm0, $0xb8;
	[tilespmem:$0x1E200] =	vst v63  }
0x99: {  	v2 =	vld.msk [tilespmem:$0x20], $0xff;
	_ =	sdelay $0x4  }
0x9a: {  	v3 =	vshrl.u32 v2, $0x3  }
0x9b: {  	v3 =	vmul.u32 $0xA0, v3  }
0x9c: {  	v2 =	vand.u32 $0x7, v2  }
0x9d: {  	v2 =	vor.u32 v2, v3  }
0x9e: {  	v2 =	vperm.xlane v2, v0;
	_ =	sdelay $0x1  }
0x9f: {  	v2 =	vadd.s32 v1, v2;
	_ =	sdelay $0x3  }
0xa0: {  	s14 =	simm.s32 $0x14200  }
0xa1: {  	[tilespmem:s14], [sflag:$0x5] =	stream.indirect_vreg.gather [hbm4b:s2+s3], $0x80, v2, vm0, $0xb8;
	[tilespmem:$0x1E200] =	vst v63  }
0xa2: {  	s15 =	simm.s32 $0x14A00  }
0xa3: {  	[tilespmem:s15], [sflag:$0x5] =	stream.indirect_vreg.gather [hbm4b:s5+s3], $0x80, v2, vm0, $0xb8;
	[tilespmem:$0x1E200] =	vst v63  }
0xa4: {  	s22 =	simm.s32 $0x15200  }
0xa5: {  	[tilespmem:s22], [sflag:$0x5] =	stream.indirect_vreg.gather [hbm4b:s6+s3], $0x80, v2, vm0, $0xb8;
	[tilespmem:$0x1E200] =	vst v63  }
0xa6: {  	s24 =	simm.s32 $0x15A00  }
0xa7: {  	[tilespmem:s24], [sflag:$0x5] =	stream.indirect_vreg.gather [hbm4b:s7+s3], $0x80, v2, vm0, $0xb8;
	[tilespmem:$0x1E200] =	vst v63  }
0xa8: {  	s25 =	simm.s32 $0x16200  }
0xa9: {  	[tilespmem:s25], [sflag:$0x5] =	stream.indirect_vreg.gather [hbm4b:s8+s3], $0x80, v2, vm0, $0xb8;
	[tilespmem:$0x1E200] =	vst v63  }
0xaa: {  	s14 =	simm.s32 $0x16A00  }
0xab: {  	[tilespmem:s14], [sflag:$0x5] =	stream.indirect_vreg.gather [hbm4b:s9+s3], $0x80, v2, vm0, $0xb8;
	[tilespmem:$0x1E200] =	vst v63  }
0xac: {  	s15 =	simm.s32 $0x17200  }
0xad: {  	[tilespmem:s15], [sflag:$0x5] =	stream.indirect_vreg.gather [hbm4b:s10+s3], $0x80, v2, vm0, $0xb8;
	[tilespmem:$0x1E200] =	vst v63  }
0xae: {  	s22 =	simm.s32 $0x17A00  }
0xaf: {  	[tilespmem:s22], [sflag:$0x5] =	stream.indirect_vreg.gather [hbm4b:s11+s3], $0x80, v2, vm0, $0xb8;
	[tilespmem:$0x1E200] =	vst v63  }
.Ltmp2:
0xb0: {  	_ = 	snop;
	(pc) =	sbr.rel .LBB2_2-.Ltmp2, $4  }
0xb1: {  	s24 =	simm.s32 $0x18200;
	s25 =	simm.s32 $0x18A00  }
0xb2: {  	[tilespmem:s24], [sflag:$0x5] =	stream.indirect_vreg.gather [hbm4b:s12+s3], $0x80, v2, vm0, $0xb8;
	[tilespmem:$0x1E200] =	vst v63  }
0xb3: {  	s14 =	rddreg [dreg:$0x6];
	s15 =	simm.s32 $0xFFFFFFFF;
	s22 =	simm.s32 $0x28  }
0xb4: {  	[tilespmem:s25], [sflag:$0x5] =	stream.indirect_vreg.gather [hbm4b:s13+s3], $0x80, v2, vm0, $0xb8;
	[tilespmem:$0x1E200] =	vst v63  }
.LBB2_12:
0xb5: {  	p0 =	sgt.u32 s4, $0x39  }
0xb6: {  	s4 =	simm.s32 @!p0 $0x9  }
0xb7: {  	_ =	swait.ge @!p0 [sflag:s4], $0x5000  }
0xb8: {  	[sflag:s4] =	ssyncset.done @!p0 $0x0  }
0xb9: {  	[sflag:s4] =	ssyncadd.s32 @!p0 $0xFFFFB000  }
0xba: {  	v2 =	vld.msk @!p0 [tilespmem:s22+$0x0], $0xff;
	_ =	sdelay $0x4  }
0xbb: {  	v3 =	vshrl.u32 @!p0 v2, $0x3  }
0xbc: {  	v3 =	vmul.u32 @!p0 $0xA0, v3  }
0xbd: {  	v4 =	vlaneseq.u32 @!p0;
	v2 =	vand.u32 @!p0 $0x7, v2  }
0xbe: {  	v2 =	vor.u32 @!p0 v2, v3;
	v3 =	vand.u32 @!p0 $0x7, v4;
	v4 =	vshrl.u32 @!p0 v4, $0x3  }
0xbf: {  	v2 =	vperm.xlane @!p0 v2, v3;
	v3 =	vmul.u32 @!p0 $0x8, v4;
	_ =	sdelay $0x1  }
0xc0: {  	v2 =	vadd.s32 @!p0 v3, v2;
	_ =	sdelay $0x3  }
0xc1: {  	vm1 =	vmmov @!p0 $0xffff;
	s24 =	simm.s32 @!p0 $0xA200;
	s4 =	simm.s32 @!p0 $0x0  }
0xc2: {  	[tilespmem:s24], [sflag:$0x3] =	stream.indirect_vreg.gather @!p0 [hbm4b:s2+s4], $0x80, v2, vm1, $0xb8;
	[tilespmem:$0x1E200] =	vst v63  }
0xc3: {  	s24 =	simm.s32 @!p0 $0xAA00  }
0xc4: {  	[tilespmem:s24], [sflag:$0x3] =	stream.indirect_vreg.gather @!p0 [hbm4b:s5+s4], $0x80, v2, vm1, $0xb8;
	[tilespmem:$0x1E200] =	vst v63  }
0xc5: {  	s24 =	simm.s32 @!p0 $0xB200  }
0xc6: {  	[tilespmem:s24], [sflag:$0x3] =	stream.indirect_vreg.gather @!p0 [hbm4b:s6+s4], $0x80, v2, vm1, $0xb8;
	[tilespmem:$0x1E200] =	vst v63  }
0xc7: {  	s24 =	simm.s32 @!p0 $0xBA00  }
0xc8: {  	[tilespmem:s24], [sflag:$0x3] =	stream.indirect_vreg.gather @!p0 [hbm4b:s7+s4], $0x80, v2, vm1, $0xb8;
	[tilespmem:$0x1E200] =	vst v63  }
0xc9: {  	s24 =	simm.s32 @!p0 $0xC200  }
0xca: {  	[tilespmem:s24], [sflag:$0x3] =	stream.indirect_vreg.gather @!p0 [hbm4b:s8+s4], $0x80, v2, vm1, $0xb8;
	[tilespmem:$0x1E200] =	vst v63  }
0xcb: {  	s24 =	simm.s32 @!p0 $0xCA00  }
0xcc: {  	[tilespmem:s24], [sflag:$0x3] =	stream.indirect_vreg.gather @!p0 [hbm4b:s9+s4], $0x80, v2, vm1, $0xb8;
	[tilespmem:$0x1E200] =	vst v63  }
0xcd: {  	s24 =	simm.s32 @!p0 $0xD200  }
0xce: {  	[tilespmem:s24], [sflag:$0x3] =	stream.indirect_vreg.gather @!p0 [hbm4b:s10+s4], $0x80, v2, vm1, $0xb8;
	[tilespmem:$0x1E200] =	vst v63  }
0xcf: {  	s24 =	simm.s32 @!p0 $0xDA00  }
0xd0: {  	[tilespmem:s24], [sflag:$0x3] =	stream.indirect_vreg.gather @!p0 [hbm4b:s11+s4], $0x80, v2, vm1, $0xb8;
	[tilespmem:$0x1E200] =	vst v63  }
0xd1: {  	s24 =	simm.s32 @!p0 $0xE200  }
0xd2: {  	[tilespmem:s24], [sflag:$0x3] =	stream.indirect_vreg.gather @!p0 [hbm4b:s12+s4], $0x80, v2, vm1, $0xb8;
	[tilespmem:$0x1E200] =	vst v63  }
0xd3: {  	s24 =	simm.s32 @!p0 $0xEA00  }
0xd4: {  	[tilespmem:s24], [sflag:$0x3] =	stream.indirect_vreg.gather @!p0 [hbm4b:s13+s4], $0x80, v2, vm1, $0xb8;
	[tilespmem:$0x1E200] =	vst v63  }
0xd5: {  	_ =	swait.ge [sflag:s16], $0x5000  }
0xd6: {  	[sflag:s16] =	ssyncset.done $0x0  }
0xd7: {  	[sflag:s16] =	ssyncadd.s32 $0xFFFFB000  }
0xd8: {  	[hbm4b:s14+s3] =	stream.linear.scatter [tilespmem:s1], [sflag:$0xA], $0x5000, $0x38;
	[tilespmem:$0x1E200] =	vst v63  }
.LBB2_13:
0xd9: {  	p0 =	sne.s32 s15, $0x3F  }
.Ltmp3:
0xda: {  	_ = 	snop;
	(pc) =	sbr.rel @!p0 .LBB2_14-.Ltmp3, $2  }
0xdb: {  	_ =	sdelay $0x2  }
0xdc: {  	s22 =	sadd.s32 $0x8, s22;
	s14 =	sadd.s32 $0xA00, s14  }
.LBB2_2:
0xdd: {  	s4 =	smov.u32 s15;
	s15 =	sadd.s32 $0x1, s15  }
0xde: {  	s24 =	smul.u32 $0xAB, s15;
	_ =	sdelay $0x1  }
0xdf: {  	s24 =	sshrl.u32 s24, $0xA  }
0xe0: {  	s24 =	sand.u32 $0x3F, s24  }
0xe1: {  	s24 =	smul.u32 $0x6, s24;
	_ =	sdelay $0x1  }
0xe2: {  	s24 =	ssub.s32 s15, s24  }
0xe3: {  	s24 =	sand.u32 $0xFF, s24  }
0xe4: {  	p0 =	sgt.s32 s24, $0x2  }
.Ltmp4:
0xe5: {  	_ = 	snop;
	(pc) =	sbr.rel @p0 .LBB2_5-.Ltmp4, $1  }
0xe6: {  	_ =	sdelay $0x3  }
0xe7: {  	p0 =	seq.s32 s24, $0x0  }
.Ltmp5:
0xe8: {  	_ = 	snop;
	(pc) =	sbr.rel @p0 .LBB2_7-.Ltmp5, $1  }
0xe9: {  	_ =	sdelay $0x3  }
0xea: {  	p0 =	seq.s32 s24, $0x1  }
0xeb: {  	p1 =	sgt.u32 @p0 s4, $0x39  }
0xec: {  	p1 =	por p1, !p0  }
0xed: {  	s24 =	simm.s32 @!p1 $0x7  }
0xee: {  	_ =	swait.ge @!p1 [sflag:s24], $0x5000  }
0xef: {  	[sflag:s24] =	ssyncset.done @!p1 $0x0  }
0xf0: {  	[sflag:s24] =	ssyncadd.s32 @!p1 $0xFFFFB000  }
0xf1: {  	v2 =	vld.msk @!p1 [tilespmem:s22+$0x0], $0xff;
	_ =	sdelay $0x4  }
0xf2: {  	v3 =	vshrl.u32 @!p1 v2, $0x3  }
0xf3: {  	v3 =	vmul.u32 @!p1 $0xA0, v3  }
0xf4: {  	v4 =	vlaneseq.u32 @!p1;
	v2 =	vand.u32 @!p1 $0x7, v2  }
0xf5: {  	v2 =	vor.u32 @!p1 v2, v3;
	v3 =	vand.u32 @!p1 $0x7, v4;
	v4 =	vshrl.u32 @!p1 v4, $0x3  }
0xf6: {  	v2 =	vperm.xlane @!p1 v2, v3;
	v3 =	vmul.u32 @!p1 $0x8, v4;
	_ =	sdelay $0x1  }
0xf7: {  	v2 =	vadd.s32 @!p1 v3, v2;
	_ =	sdelay $0x3  }
0xf8: {  	vm1 =	vmmov @!p1 $0xffff;
	s25 =	simm.s32 @!p1 $0x200;
	s24 =	simm.s32 @!p1 $0x0  }
0xf9: {  	[tilespmem:s25], [sflag:$0x1] =	stream.indirect_vreg.gather @!p1 [hbm4b:s2+s24], $0x80, v2, vm1, $0xb8;
	[tilespmem:$0x1E200] =	vst v63  }
0xfa: {  	s25 =	simm.s32 @!p1 $0xA00  }
0xfb: {  	[tilespmem:s25], [sflag:$0x1] =	stream.indirect_vreg.gather @!p1 [hbm4b:s5+s24], $0x80, v2, vm1, $0xb8;
	[tilespmem:$0x1E200] =	vst v63  }
0xfc: {  	s25 =	simm.s32 @!p1 $0x1200  }
0xfd: {  	[tilespmem:s25], [sflag:$0x1] =	stream.indirect_vreg.gather @!p1 [hbm4b:s6+s24], $0x80, v2, vm1, $0xb8;
	[tilespmem:$0x1E200] =	vst v63  }
0xfe: {  	s25 =	simm.s32 @!p1 $0x1A00  }
0xff: {  	[tilespmem:s25], [sflag:$0x1] =	stream.indirect_vreg.gather @!p1 [hbm4b:s7+s24], $0x80, v2, vm1, $0xb8;
	[tilespmem:$0x1E200] =	vst v63  }
0x100: {  	s25 =	simm.s32 @!p1 $0x2200  }
0x101: {  	[tilespmem:s25], [sflag:$0x1] =	stream.indirect_vreg.gather @!p1 [hbm4b:s8+s24], $0x80, v2, vm1, $0xb8;
	[tilespmem:$0x1E200] =	vst v63  }
0x102: {  	s25 =	simm.s32 @!p1 $0x2A00  }
0x103: {  	[tilespmem:s25], [sflag:$0x1] =	stream.indirect_vreg.gather @!p1 [hbm4b:s9+s24], $0x80, v2, vm1, $0xb8;
	[tilespmem:$0x1E200] =	vst v63  }
0x104: {  	s25 =	simm.s32 @!p1 $0x3200  }
0x105: {  	[tilespmem:s25], [sflag:$0x1] =	stream.indirect_vreg.gather @!p1 [hbm4b:s10+s24], $0x80, v2, vm1, $0xb8;
	[tilespmem:$0x1E200] =	vst v63  }
0x106: {  	s25 =	simm.s32 @!p1 $0x3A00  }
0x107: {  	[tilespmem:s25], [sflag:$0x1] =	stream.indirect_vreg.gather @!p1 [hbm4b:s11+s24], $0x80, v2, vm1, $0xb8;
	[tilespmem:$0x1E200] =	vst v63  }
0x108: {  	s25 =	simm.s32 @!p1 $0x4200  }
0x109: {  	[tilespmem:s25], [sflag:$0x1] =	stream.indirect_vreg.gather @!p1 [hbm4b:s12+s24], $0x80, v2, vm1, $0xb8;
	[tilespmem:$0x1E200] =	vst v63  }
0x10a: {  	s25 =	simm.s32 @!p1 $0x4A00  }
0x10b: {  	[tilespmem:s25], [sflag:$0x1] =	stream.indirect_vreg.gather @!p1 [hbm4b:s13+s24], $0x80, v2, vm1, $0xb8;
	[tilespmem:$0x1E200] =	vst v63  }
0x10c: {  	s24 =	simm.s32 @p0 $0x2  }
0x10d: {  	p1 =	sgt.u32 @!p0 s4, $0x39;
	_ =	swait.ge @p0 [sflag:s24], $0x5000  }
0x10e: {  	s25 =	simm.s32 @p0 $0x5200;
	p1 =	por p1, p0;
	[sflag:s24] =	ssyncset.done @p0 $0x0  }
0x10f: {  	s4 =	simm.s32 @!p1 $0x8;
	[sflag:s24] =	ssyncadd.s32 @p0 $0xFFFFB000;
	s24 =	simm.s32 @p0 $0x0  }
0x110: {  	[hbm4b:s14+s24] =	stream.linear.scatter @p0 [tilespmem:s25], [sflag:$0x8], $0x5000, $0x38;
	[tilespmem:$0x1E200] =	vst v63  }
0x111: {  	_ =	swait.ge @!p1 [sflag:s4], $0x5000  }
0x112: {  	[sflag:s4] =	ssyncset.done @!p1 $0x0  }
0x113: {  	[sflag:s4] =	ssyncadd.s32 @!p1 $0xFFFFB000  }
0x114: {  	v2 =	vld.msk @!p1 [tilespmem:s22+$0x0], $0xff;
	_ =	sdelay $0x4  }
0x115: {  	v3 =	vshrl.u32 @!p1 v2, $0x3  }
0x116: {  	v3 =	vmul.u32 @!p1 $0xA0, v3  }
0x117: {  	v4 =	vlaneseq.u32 @!p1;
	v2 =	vand.u32 @!p1 $0x7, v2  }
0x118: {  	v2 =	vor.u32 @!p1 v2, v3;
	v3 =	vand.u32 @!p1 $0x7, v4;
	v4 =	vshrl.u32 @!p1 v4, $0x3  }
0x119: {  	v2 =	vperm.xlane @!p1 v2, v3;
	v3 =	vmul.u32 @!p1 $0x8, v4;
	_ =	sdelay $0x1  }
0x11a: {  	v2 =	vadd.s32 @!p1 v3, v2;
	_ =	sdelay $0x3  }
0x11b: {  	vm1 =	vmmov @!p1 $0xffff;
	s24 =	simm.s32 @!p1 $0x5200;
	s4 =	simm.s32 @!p1 $0x0  }
0x11c: {  	[tilespmem:s24], [sflag:$0x2] =	stream.indirect_vreg.gather @!p1 [hbm4b:s2+s4], $0x80, v2, vm1, $0xb8;
	[tilespmem:$0x1E200] =	vst v63  }
0x11d: {  	s24 =	simm.s32 @!p1 $0x5A00  }
0x11e: {  	[tilespmem:s24], [sflag:$0x2] =	stream.indirect_vreg.gather @!p1 [hbm4b:s5+s4], $0x80, v2, vm1, $0xb8;
	[tilespmem:$0x1E200] =	vst v63  }
0x11f: {  	s24 =	simm.s32 @!p1 $0x6200  }
0x120: {  	[tilespmem:s24], [sflag:$0x2] =	stream.indirect_vreg.gather @!p1 [hbm4b:s6+s4], $0x80, v2, vm1, $0xb8;
	[tilespmem:$0x1E200] =	vst v63  }
0x121: {  	s24 =	simm.s32 @!p1 $0x6A00  }
0x122: {  	[tilespmem:s24], [sflag:$0x2] =	stream.indirect_vreg.gather @!p1 [hbm4b:s7+s4], $0x80, v2, vm1, $0xb8;
	[tilespmem:$0x1E200] =	vst v63  }
0x123: {  	s24 =	simm.s32 @!p1 $0x7200  }
0x124: {  	[tilespmem:s24], [sflag:$0x2] =	stream.indirect_vreg.gather @!p1 [hbm4b:s8+s4], $0x80, v2, vm1, $0xb8;
	[tilespmem:$0x1E200] =	vst v63  }
0x125: {  	s24 =	simm.s32 @!p1 $0x7A00  }
0x126: {  	[tilespmem:s24], [sflag:$0x2] =	stream.indirect_vreg.gather @!p1 [hbm4b:s9+s4], $0x80, v2, vm1, $0xb8;
	[tilespmem:$0x1E200] =	vst v63  }
0x127: {  	s24 =	simm.s32 @!p1 $0x8200  }
0x128: {  	[tilespmem:s24], [sflag:$0x2] =	stream.indirect_vreg.gather @!p1 [hbm4b:s10+s4], $0x80, v2, vm1, $0xb8;
	[tilespmem:$0x1E200] =	vst v63  }
0x129: {  	s24 =	simm.s32 @!p1 $0x8A00  }
0x12a: {  	[tilespmem:s24], [sflag:$0x2] =	stream.indirect_vreg.gather @!p1 [hbm4b:s11+s4], $0x80, v2, vm1, $0xb8;
	[tilespmem:$0x1E200] =	vst v63  }
0x12b: {  	s24 =	simm.s32 @!p1 $0x9200  }
0x12c: {  	[tilespmem:s24], [sflag:$0x2] =	stream.indirect_vreg.gather @!p1 [hbm4b:s12+s4], $0x80, v2, vm1, $0xb8;
	[tilespmem:$0x1E200] =	vst v63  }
0x12d: {  	s24 =	simm.s32 @!p1 $0x9A00  }
0x12e: {  	[tilespmem:s24], [sflag:$0x2] =	stream.indirect_vreg.gather @!p1 [hbm4b:s13+s4], $0x80, v2, vm1, $0xb8;
	[tilespmem:$0x1E200] =	vst v63  }
.Ltmp6:
0x12f: {  	s4 =	simm.s32 @!p0 $0x3;
	(pc) =	sbr.rel .LBB2_13-.Ltmp6, $4  }
0x130: {  	_ =	swait.ge @!p0 [sflag:s4], $0x5000  }
0x131: {  	[sflag:s4] =	ssyncset.done @!p0 $0x0  }
0x132: {  	s24 =	simm.s32 @!p0 $0xA200;
	[sflag:s4] =	ssyncadd.s32 @!p0 $0xFFFFB000;
	s4 =	simm.s32 @!p0 $0x0  }
0x133: {  	[hbm4b:s14+s4] =	stream.linear.scatter @!p0 [tilespmem:s24], [sflag:$0x9], $0x5000, $0x38;
	[tilespmem:$0x1E200] =	vst v63  }
.LBB2_5:
0x134: {  	p0 =	seq.s32 s24, $0x3  }
.Ltmp7:
0x135: {  	_ = 	snop;
	(pc) =	sbr.rel @p0 .LBB2_12-.Ltmp7, $1  }
0x136: {  	_ =	sdelay $0x3  }
0x137: {  	p0 =	seq.s32 s24, $0x4  }
0x138: {  	p1 =	sgt.u32 @p0 s4, $0x39  }
0x139: {  	p1 =	por p1, !p0  }
0x13a: {  	s24 =	simm.s32 @!p1 $0xA  }
0x13b: {  	_ =	swait.ge @!p1 [sflag:s24], $0x5000  }
0x13c: {  	[sflag:s24] =	ssyncset.done @!p1 $0x0  }
0x13d: {  	[sflag:s24] =	ssyncadd.s32 @!p1 $0xFFFFB000  }
0x13e: {  	v2 =	vld.msk @!p1 [tilespmem:s22+$0x0], $0xff;
	_ =	sdelay $0x4  }
0x13f: {  	v3 =	vshrl.u32 @!p1 v2, $0x3  }
0x140: {  	v3 =	vmul.u32 @!p1 $0xA0, v3  }
0x141: {  	v4 =	vlaneseq.u32 @!p1;
	v2 =	vand.u32 @!p1 $0x7, v2  }
0x142: {  	v2 =	vor.u32 @!p1 v2, v3;
	v3 =	vand.u32 @!p1 $0x7, v4;
	v4 =	vshrl.u32 @!p1 v4, $0x3  }
0x143: {  	v2 =	vperm.xlane @!p1 v2, v3;
	v3 =	vmul.u32 @!p1 $0x8, v4;
	_ =	sdelay $0x1  }
0x144: {  	v2 =	vadd.s32 @!p1 v3, v2;
	_ =	sdelay $0x3  }
0x145: {  	vm1 =	vmmov @!p1 $0xffff;
	s25 =	simm.s32 @!p1 $0xF200;
	s24 =	simm.s32 @!p1 $0x0  }
0x146: {  	[tilespmem:s25], [sflag:$0x4] =	stream.indirect_vreg.gather @!p1 [hbm4b:s2+s24], $0x80, v2, vm1, $0xb8;
	[tilespmem:$0x1E200] =	vst v63  }
0x147: {  	s25 =	simm.s32 @!p1 $0xFA00  }
0x148: {  	[tilespmem:s25], [sflag:$0x4] =	stream.indirect_vreg.gather @!p1 [hbm4b:s5+s24], $0x80, v2, vm1, $0xb8;
	[tilespmem:$0x1E200] =	vst v63  }
0x149: {  	s25 =	simm.s32 @!p1 $0x10200  }
0x14a: {  	[tilespmem:s25], [sflag:$0x4] =	stream.indirect_vreg.gather @!p1 [hbm4b:s6+s24], $0x80, v2, vm1, $0xb8;
	[tilespmem:$0x1E200] =	vst v63  }
0x14b: {  	s25 =	simm.s32 @!p1 $0x10A00  }
0x14c: {  	[tilespmem:s25], [sflag:$0x4] =	stream.indirect_vreg.gather @!p1 [hbm4b:s7+s24], $0x80, v2, vm1, $0xb8;
	[tilespmem:$0x1E200] =	vst v63  }
0x14d: {  	s25 =	simm.s32 @!p1 $0x11200  }
0x14e: {  	[tilespmem:s25], [sflag:$0x4] =	stream.indirect_vreg.gather @!p1 [hbm4b:s8+s24], $0x80, v2, vm1, $0xb8;
	[tilespmem:$0x1E200] =	vst v63  }
0x14f: {  	s25 =	simm.s32 @!p1 $0x11A00  }
0x150: {  	[tilespmem:s25], [sflag:$0x4] =	stream.indirect_vreg.gather @!p1 [hbm4b:s9+s24], $0x80, v2, vm1, $0xb8;
	[tilespmem:$0x1E200] =	vst v63  }
0x151: {  	s25 =	simm.s32 @!p1 $0x12200  }
0x152: {  	[tilespmem:s25], [sflag:$0x4] =	stream.indirect_vreg.gather @!p1 [hbm4b:s10+s24], $0x80, v2, vm1, $0xb8;
	[tilespmem:$0x1E200] =	vst v63  }
0x153: {  	s25 =	simm.s32 @!p1 $0x12A00  }
0x154: {  	[tilespmem:s25], [sflag:$0x4] =	stream.indirect_vreg.gather @!p1 [hbm4b:s11+s24], $0x80, v2, vm1, $0xb8;
	[tilespmem:$0x1E200] =	vst v63  }
0x155: {  	s25 =	simm.s32 @!p1 $0x13200  }
0x156: {  	[tilespmem:s25], [sflag:$0x4] =	stream.indirect_vreg.gather @!p1 [hbm4b:s12+s24], $0x80, v2, vm1, $0xb8;
	[tilespmem:$0x1E200] =	vst v63  }
0x157: {  	s25 =	simm.s32 @!p1 $0x13A00  }
0x158: {  	[tilespmem:s25], [sflag:$0x4] =	stream.indirect_vreg.gather @!p1 [hbm4b:s13+s24], $0x80, v2, vm1, $0xb8;
	[tilespmem:$0x1E200] =	vst v63  }
0x159: {  	s24 =	simm.s32 @p0 $0x5  }
0x15a: {  	p1 =	sgt.u32 @!p0 s4, $0x39;
	_ =	swait.ge @p0 [sflag:s24], $0x5000  }
0x15b: {  	s25 =	simm.s32 @p0 $0x14200;
	p1 =	por p1, p0;
	[sflag:s24] =	ssyncset.done @p0 $0x0  }
0x15c: {  	s4 =	simm.s32 @!p1 $0xB;
	[sflag:s24] =	ssyncadd.s32 @p0 $0xFFFFB000;
	s24 =	simm.s32 @p0 $0x0  }
0x15d: {  	[hbm4b:s14+s24] =	stream.linear.scatter @p0 [tilespmem:s25], [sflag:$0xB], $0x5000, $0x38;
	[tilespmem:$0x1E200] =	vst v63  }
0x15e: {  	_ =	swait.ge @!p1 [sflag:s4], $0x5000  }
0x15f: {  	[sflag:s4] =	ssyncset.done @!p1 $0x0  }
0x160: {  	[sflag:s4] =	ssyncadd.s32 @!p1 $0xFFFFB000  }
0x161: {  	v2 =	vld.msk @!p1 [tilespmem:s22+$0x0], $0xff;
	_ =	sdelay $0x4  }
0x162: {  	v3 =	vshrl.u32 @!p1 v2, $0x3  }
0x163: {  	v3 =	vmul.u32 @!p1 $0xA0, v3  }
0x164: {  	v4 =	vlaneseq.u32 @!p1;
	v2 =	vand.u32 @!p1 $0x7, v2  }
0x165: {  	v2 =	vor.u32 @!p1 v2, v3;
	v3 =	vand.u32 @!p1 $0x7, v4;
	v4 =	vshrl.u32 @!p1 v4, $0x3  }
0x166: {  	v2 =	vperm.xlane @!p1 v2, v3;
	v3 =	vmul.u32 @!p1 $0x8, v4;
	_ =	sdelay $0x1  }
0x167: {  	v2 =	vadd.s32 @!p1 v3, v2;
	_ =	sdelay $0x3  }
0x168: {  	vm1 =	vmmov @!p1 $0xffff;
	s24 =	simm.s32 @!p1 $0x14200;
	s4 =	simm.s32 @!p1 $0x0  }
0x169: {  	[tilespmem:s24], [sflag:$0x5] =	stream.indirect_vreg.gather @!p1 [hbm4b:s2+s4], $0x80, v2, vm1, $0xb8;
	[tilespmem:$0x1E200] =	vst v63  }
0x16a: {  	s24 =	simm.s32 @!p1 $0x14A00  }
0x16b: {  	[tilespmem:s24], [sflag:$0x5] =	stream.indirect_vreg.gather @!p1 [hbm4b:s5+s4], $0x80, v2, vm1, $0xb8;
	[tilespmem:$0x1E200] =	vst v63  }
0x16c: {  	s24 =	simm.s32 @!p1 $0x15200  }
0x16d: {  	[tilespmem:s24], [sflag:$0x5] =	stream.indirect_vreg.gather @!p1 [hbm4b:s6+s4], $0x80, v2, vm1, $0xb8;
	[tilespmem:$0x1E200] =	vst v63  }
0x16e: {  	s24 =	simm.s32 @!p1 $0x15A00  }
0x16f: {  	[tilespmem:s24], [sflag:$0x5] =	stream.indirect_vreg.gather @!p1 [hbm4b:s7+s4], $0x80, v2, vm1, $0xb8;
	[tilespmem:$0x1E200] =	vst v63  }
0x170: {  	s24 =	simm.s32 @!p1 $0x16200  }
0x171: {  	[tilespmem:s24], [sflag:$0x5] =	stream.indirect_vreg.gather @!p1 [hbm4b:s8+s4], $0x80, v2, vm1, $0xb8;
	[tilespmem:$0x1E200] =	vst v63  }
0x172: {  	s24 =	simm.s32 @!p1 $0x16A00  }
0x173: {  	[tilespmem:s24], [sflag:$0x5] =	stream.indirect_vreg.gather @!p1 [hbm4b:s9+s4], $0x80, v2, vm1, $0xb8;
	[tilespmem:$0x1E200] =	vst v63  }
0x174: {  	s24 =	simm.s32 @!p1 $0x17200  }
0x175: {  	[tilespmem:s24], [sflag:$0x5] =	stream.indirect_vreg.gather @!p1 [hbm4b:s10+s4], $0x80, v2, vm1, $0xb8;
	[tilespmem:$0x1E200] =	vst v63  }
0x176: {  	s24 =	simm.s32 @!p1 $0x17A00  }
0x177: {  	[tilespmem:s24], [sflag:$0x5] =	stream.indirect_vreg.gather @!p1 [hbm4b:s11+s4], $0x80, v2, vm1, $0xb8;
	[tilespmem:$0x1E200] =	vst v63  }
0x178: {  	s24 =	simm.s32 @!p1 $0x18200  }
0x179: {  	[tilespmem:s24], [sflag:$0x5] =	stream.indirect_vreg.gather @!p1 [hbm4b:s12+s4], $0x80, v2, vm1, $0xb8;
	[tilespmem:$0x1E200] =	vst v63  }
0x17a: {  	s24 =	simm.s32 @!p1 $0x18A00  }
0x17b: {  	[tilespmem:s24], [sflag:$0x5] =	stream.indirect_vreg.gather @!p1 [hbm4b:s13+s4], $0x80, v2, vm1, $0xb8;
	[tilespmem:$0x1E200] =	vst v63  }
.Ltmp8:
0x17c: {  	s4 =	simm.s32 @!p0 $0x6;
	(pc) =	sbr.rel .LBB2_13-.Ltmp8, $4  }
0x17d: {  	_ =	swait.ge @!p0 [sflag:s4], $0x5000  }
0x17e: {  	[sflag:s4] =	ssyncset.done @!p0 $0x0  }
0x17f: {  	s24 =	simm.s32 @!p0 $0x19200;
	[sflag:s4] =	ssyncadd.s32 @!p0 $0xFFFFB000;
	s4 =	simm.s32 @!p0 $0x0  }
0x180: {  	[hbm4b:s14+s4] =	stream.linear.scatter @!p0 [tilespmem:s24], [sflag:$0xC], $0x5000, $0x38;
	[tilespmem:$0x1E200] =	vst v63  }
.LBB2_7:
0x181: {  	p0 =	sgt.u32 s4, $0x39  }
.Ltmp9:
0x182: {  	_ = 	snop;
	(pc) =	sbr.rel @p0 .LBB2_9-.Ltmp9, $1  }
0x183: {  	_ =	sdelay $0x3  }
.Ltmp10:
0x184: {  	(pc) =	sbr.rel .LBB2_10-.Ltmp10, $4  }
0x185: {  	_ = 	snop  }
0x186: {  	_ =	swait.ge [sflag:s23], $0x5000  }
0x187: {  	[sflag:s23] =	ssyncset.done $0x0  }
0x188: {  	[sflag:s23] =	ssyncadd.s32 $0xFFFFB000  }
.LBB2_9:
0x189: {  	p0 =	sgt.u32 s15, $0x3A  }
.Ltmp11:
0x18a: {  	_ = 	snop;
	(pc) =	sbr.rel @p0 .LBB2_11-.Ltmp11, $1  }
0x18b: {  	_ =	sdelay $0x3  }
.LBB2_10:
0x18c: {  	v2 =	vld.msk [tilespmem:s22+$0x0], $0xff;
	_ =	sdelay $0x4  }
0x18d: {  	v3 =	vshrl.u32 v2, $0x3  }
0x18e: {  	v3 =	vmul.u32 $0xA0, v3  }
0x18f: {  	v2 =	vand.u32 $0x7, v2  }
0x190: {  	v2 =	vor.u32 v2, v3  }
0x191: {  	v2 =	vperm.xlane v2, v0;
	_ =	sdelay $0x1  }
0x192: {  	v2 =	vadd.s32 v1, v2;
	_ =	sdelay $0x3  }
0x193: {  	s4 =	simm.s32 $0x19200  }
0x194: {  	[tilespmem:s4], [sflag:$0x6] =	stream.indirect_vreg.gather [hbm4b:s2+s3], $0x80, v2, vm0, $0xb8;
	[tilespmem:$0x1E200] =	vst v63  }
0x195: {  	s25 =	simm.s32 $0x19A00  }
0x196: {  	[tilespmem:s25], [sflag:$0x6] =	stream.indirect_vreg.gather [hbm4b:s5+s3], $0x80, v2, vm0, $0xb8;
	[tilespmem:$0x1E200] =	vst v63  }
0x197: {  	_ = 	snop  }
0x198: {  	[tilespmem:s26], [sflag:$0x6] =	stream.indirect_vreg.gather [hbm4b:s6+s3], $0x80, v2, vm0, $0xb8;
	[tilespmem:$0x1E200] =	vst v63  }
0x199: {  	_ = 	snop  }
0x19a: {  	[tilespmem:s28], [sflag:$0x6] =	stream.indirect_vreg.gather [hbm4b:s7+s3], $0x80, v2, vm0, $0xb8;
	[tilespmem:$0x1E200] =	vst v63  }
0x19b: {  	_ = 	snop  }
0x19c: {  	[tilespmem:s29], [sflag:$0x6] =	stream.indirect_vreg.gather [hbm4b:s8+s3], $0x80, v2, vm0, $0xb8;
	[tilespmem:$0x1E200] =	vst v63  }
0x19d: {  	_ = 	snop  }
0x19e: {  	[tilespmem:s30], [sflag:$0x6] =	stream.indirect_vreg.gather [hbm4b:s9+s3], $0x80, v2, vm0, $0xb8;
	[tilespmem:$0x1E200] =	vst v63  }
0x19f: {  	_ = 	snop  }
0x1a0: {  	[tilespmem:s31], [sflag:$0x6] =	stream.indirect_vreg.gather [hbm4b:s10+s3], $0x80, v2, vm0, $0xb8;
	[tilespmem:$0x1E200] =	vst v63  }
0x1a1: {  	_ = 	snop  }
0x1a2: {  	[tilespmem:s0], [sflag:$0x6] =	stream.indirect_vreg.gather [hbm4b:s11+s3], $0x80, v2, vm0, $0xb8;
	[tilespmem:$0x1E200] =	vst v63  }
0x1a3: {  	_ = 	snop  }
0x1a4: {  	[tilespmem:s18], [sflag:$0x6] =	stream.indirect_vreg.gather [hbm4b:s12+s3], $0x80, v2, vm0, $0xb8;
	[tilespmem:$0x1E200] =	vst v63  }
0x1a5: {  	_ = 	snop  }
0x1a6: {  	[tilespmem:s19], [sflag:$0x6] =	stream.indirect_vreg.gather [hbm4b:s13+s3], $0x80, v2, vm0, $0xb8;
	[tilespmem:$0x1E200] =	vst v63  }
.LBB2_11:
.Ltmp12:
0x1a7: {  	(pc) =	sbr.rel .LBB2_13-.Ltmp12, $4  }
0x1a8: {  	_ =	swait.ge [sflag:s20], $0x5000  }
0x1a9: {  	[sflag:s20] =	ssyncset.done $0x0  }
0x1aa: {  	[sflag:s20] =	ssyncadd.s32 $0xFFFFB000  }
0x1ab: {  	[hbm4b:s14+s3] =	stream.linear.scatter [tilespmem:s17], [sflag:$0x7], $0x5000, $0x38;
	[tilespmem:$0x1E200] =	vst v63  }
.LBB2_15:
0x1ac: {  	_ =	sfence.sel $0x180000  }
0x1ad: {  	[bflag:$0x0] =	sbarrier.arrive $0xFFFF  }
0x1ae: {  	_ =	strace $0x90000047  }
0x1af: {  	s0 =	stileid.u32;
	[bflag:$0x2] =	sbarrier.arrive $0xFFFF  }
0x1b0: {  	p0 =	sne.s32 s0, $0x0;
	s0 =	rddreg [dreg:$0x3]  }
0x1b1: {  	s0 =	sadd.s32 @!p0 $0x100000, s0  }
0x1b2: {  	[sflag:s0] =	ssyncadd.tile.s32 @!p0 $0x1;
	_ =	shalt  }
.Lfunc_end2:
_tile_overlayer_lowered:
.L_overlay_start_2:
0x1b3: {  	(tag) =	ssettag $0x2  }
0x1b4: {  	s0 =	rddreg [dreg:$0x0];
	s2 =	stileid.u32  }
0x1b5: {  	s1 =	rddreg [dreg:$0x1];
	p0 =	sne.s32 s2, $0x0  }
0x1b6: {  	s3 =	rddreg [dreg:$0x2];
	[bflag:$0x3] =	sbarrier.arrive $0xFFFF;
	s2 =	simm.s32 @!p0 $0x1C0D  }
0x1b7: {  	[timem:s3], [sflag:s2] =	dma.local @!p0 [hbm:s0], s1  }
0x1b8: {  	s0 =	simm.s32 @!p0 $0xD  }
0x1b9: {  	_ =	swait.ge @!p0 [sflag:s0], s1  }
0x1ba: {  	s1 =	ssub.s32 @!p0 $0x0, s1;
	[sflag:s0] =	ssyncset.done @!p0 $0x0  }
0x1bb: {  	[sflag:s0] =	ssyncadd.s32 @!p0 s1  }
0x1bc: {  	[bflag:$0x3] =	sbarrier.arrive $0xFFFF  }
0x1bd: {  	_ =	shalt  }

</sc_bundles>
